<compile_context>
chip_gen: v7x
topology: tpu7x:2x2x1
jax: 0.10.2.dev20260603
libtpu: 0.0.44.dev20260713+nightly
codegen_flags: <defaults>
</compile_context>

<pallas_src>
import functools

import jax
import jax.numpy as jnp
from jax import lax
from jax.experimental import pallas as pl
from jax.experimental.pallas import tpu as pltpu
from jax.experimental.pallas import tpu_sc as plsc

IN_DIM = 1024
EMBED = 64
NTOK = 32
KCODES = 1024
BATCH = 4096
HID = 512

BLK = 512
GRID = BATCH // BLK

NC = 2
NS = 16
NW = NC * NS
NROWS = BATCH * NTOK
B_PER_W = NROWS // NW
CHUNK = 512
N_CHUNK = B_PER_W // CHUNK
EMB_PAD = 128

_INV_SQRT2 = 0.7071067811865476


def _gelu(v):
    return 0.5 * v * (1.0 + jax.lax.erf(v * _INV_SQRT2))


def _dot(a, b):
    return jnp.dot(a, b, preferred_element_type=jnp.float32)


def _enc_kernel(x_ref, eW1, eb1, eW2, eb2, eW3, eb3, cbT_ref,
                idx_ref, closs_ref):
    x = x_ref[...]
    h = _gelu(_dot(x, eW1[...]) + eb1[...])
    h = _gelu(_dot(h, eW2[...]) + eb2[...])
    z = _dot(h, eW3[...]) + eb3[...]

    cbT = cbT_ref[...]
    cb_sq = jnp.sum(cbT * cbT, axis=0, keepdims=True)
    cbT2 = cbT * -2.0

    tt = jax.lax.broadcasted_iota(jnp.int32, (BLK, NTOK), 1)

    idx_mat = jnp.zeros((BLK, NTOK), dtype=jnp.int32)
    closs_acc = jnp.float32(0.0)
    for t in range(NTOK):
        f = z[:, EMBED * t:EMBED * (t + 1)]
        f_sq = jnp.sum(f * f, axis=1, keepdims=True)
        d = (f_sq + _dot(f, cbT2)) + cb_sq
        idx_t = jnp.argmin(d, axis=1).astype(jnp.int32)
        idx_mat = jnp.where(tt == t, idx_t[:, None], idx_mat)
        closs_acc += jnp.sum(jnp.min(d, axis=1))

    idx_ref[...] = idx_mat
    closs_ref[...] = jnp.broadcast_to(closs_acc, (1, 1, 128))


def _dec_kernel(qz_ref, dW1, db1, dW2, db2, dW3, db3, rec_ref):
    qz = qz_ref[...]
    r = _gelu(_dot(qz, dW1[...]) + db1[...])
    r = _gelu(_dot(r, dW2[...]) + db2[...])
    rec_ref[...] = _dot(r, dW3[...]) + db3[...]


def _sc_gather(cb_hbm, idx_hbm, out_hbm, idx_v, rows_v, sem):
    wid = lax.axis_index("s") * NC + lax.axis_index("c")
    base = wid * B_PER_W
    for c in range(N_CHUNK):
        off = base + c * CHUNK
        pltpu.sync_copy(idx_hbm.at[pl.ds(off, CHUNK)], idx_v)
        pltpu.async_copy(cb_hbm.at[idx_v], rows_v, sem).wait()
        pltpu.sync_copy(rows_v, out_hbm.at[pl.ds(off, CHUNK)])


def kernel(x, enc_W1, enc_b1, enc_W2, enc_b2, enc_W3, enc_b3,
           dec_W1, dec_b1, dec_W2, dec_b2, dec_W3, dec_b3, codebook):
    cbT = codebook.T
    full = lambda shape: pl.BlockSpec(shape, lambda i: (0, 0))
    row = lambda n: pl.BlockSpec((1, n), lambda i: (0, 0))

    idx, closs = pl.pallas_call(
        _enc_kernel,
        grid=(GRID,),
        in_specs=[
            pl.BlockSpec((BLK, IN_DIM), lambda i: (i, 0)),
            full((IN_DIM, HID)), row(HID),
            full((HID, HID)), row(HID),
            full((HID, EMBED * NTOK)), row(EMBED * NTOK),
            full((EMBED, KCODES)),
        ],
        out_specs=[
            pl.BlockSpec((BLK, NTOK), lambda i: (i, 0)),
            pl.BlockSpec((1, 1, 128), lambda i: (i, 0, 0)),
        ],
        out_shape=[
            jax.ShapeDtypeStruct((BATCH, NTOK), jnp.int32),
            jax.ShapeDtypeStruct((GRID, 1, 128), jnp.float32),
        ],
        compiler_params=pltpu.CompilerParams(
            dimension_semantics=("parallel",),
        ),
    )(x,
      enc_W1, enc_b1.reshape(1, HID),
      enc_W2, enc_b2.reshape(1, HID),
      enc_W3, enc_b3.reshape(1, EMBED * NTOK),
      cbT)

    gather = functools.partial(
        pl.kernel,
        mesh=plsc.VectorSubcoreMesh(core_axis_name="c", subcore_axis_name="s"),
        out_type=jax.ShapeDtypeStruct((NROWS, EMB_PAD), jnp.float32),
        scratch_types=[
            pltpu.VMEM((CHUNK,), jnp.int32),
            pltpu.VMEM((CHUNK, EMB_PAD), jnp.float32),
            pltpu.SemaphoreType.DMA,
        ],
    )(_sc_gather)
    cb_pad = jnp.pad(codebook, ((0, 0), (0, EMB_PAD - EMBED)))
    q_rows = gather(cb_pad, idx.reshape(NROWS))
    qz = q_rows.reshape(BATCH, NTOK * EMB_PAD)

    dW1_pad = jnp.pad(dec_W1.reshape(NTOK, EMBED, HID),
                      ((0, 0), (0, EMB_PAD - EMBED), (0, 0))
                      ).reshape(NTOK * EMB_PAD, HID)

    rec = pl.pallas_call(
        _dec_kernel,
        grid=(GRID,),
        in_specs=[
            pl.BlockSpec((BLK, EMB_PAD * NTOK), lambda i: (i, 0)),
            full((EMB_PAD * NTOK, HID)), row(HID),
            full((HID, HID)), row(HID),
            full((HID, IN_DIM)), row(IN_DIM),
        ],
        out_specs=pl.BlockSpec((BLK, IN_DIM), lambda i: (i, 0)),
        out_shape=jax.ShapeDtypeStruct((BATCH, IN_DIM), jnp.float32),
        compiler_params=pltpu.CompilerParams(
            dimension_semantics=("parallel",),
        ),
    )(qz,
      dW1_pad, dec_b1.reshape(1, HID),
      dec_W2, dec_b2.reshape(1, HID),
      dec_W3, dec_b3.reshape(1, IN_DIM))

    commit_loss = jnp.sum(closs[:, 0, 0]) / jnp.float32(BATCH * NTOK * EMBED)
    return rec, idx, commit_loss

# --- scband reference (transcript-rebuilt; emitter-appended) ---
"""Pipeline reference for scband-simple-vqauto-encoder-70652212019550 (READ-ONLY COPY).

The authoritative reference and input builder live on the scoring server;
editing this copy changes nothing except your own understanding.
"""

import jax, jax.numpy as jnp
import numpy as np

IN_DIM = 1024
EMBED = 64
NTOK = 32
KCODES = 1024
BATCH = 4096
HID = 512


def _linear_params(key, fan_in, fan_out):
    bound = 1.0 / np.sqrt(fan_in)
    kw, kb = jax.random.split(key)
    W = jax.random.uniform(kw, (fan_in, fan_out), minval=-bound, maxval=bound, dtype=jnp.float32)
    b = jax.random.uniform(kb, (fan_out,), minval=-bound, maxval=bound, dtype=jnp.float32)
    return W, b


def setup_inputs(seed: int = 0) -> dict:
    key = jax.random.key(seed)
    ks = jax.random.split(key, 8)
    x = jax.random.normal(ks[0], (BATCH, IN_DIM), dtype=jnp.float32)
    enc_W1, enc_b1 = _linear_params(ks[1], IN_DIM, HID)
    enc_W2, enc_b2 = _linear_params(ks[2], HID, HID)
    enc_W3, enc_b3 = _linear_params(ks[3], HID, EMBED * NTOK)
    dec_W1, dec_b1 = _linear_params(ks[4], EMBED * NTOK, HID)
    dec_W2, dec_b2 = _linear_params(ks[5], HID, HID)
    dec_W3, dec_b3 = _linear_params(ks[6], HID, IN_DIM)
    codebook = jax.random.normal(ks[7], (KCODES, EMBED), dtype=jnp.float32)
    return {
        'x': x,
        'enc_W1': enc_W1, 'enc_b1': enc_b1,
        'enc_W2': enc_W2, 'enc_b2': enc_b2,
        'enc_W3': enc_W3, 'enc_b3': enc_b3,
        'dec_W1': dec_W1, 'dec_b1': dec_b1,
        'dec_W2': dec_W2, 'dec_b2': dec_b2,
        'dec_W3': dec_W3, 'dec_b3': dec_b3,
        'codebook': codebook,
    }


def reference(x, enc_W1, enc_b1, enc_W2, enc_b2, enc_W3, enc_b3,
              dec_W1, dec_b1, dec_W2, dec_b2, dec_W3, dec_b3, codebook):
    # encoder MLP (torch nn.Linear + exact GELU)
    h = jax.nn.gelu(x @ enc_W1 + enc_b1, approximate=False)
    h = jax.nn.gelu(h @ enc_W2 + enc_b2, approximate=False)
    h = h @ enc_W3 + enc_b3
    # rearrange '... (h d) -> (...) h d'
    z = h.reshape(-1, NTOK, EMBED)
    flat = z.reshape(-1, EMBED)
    # euclidean nearest-codebook lookup
    d = (jnp.sum(flat * flat, axis=1, keepdims=True)
         - 2.0 * (flat @ codebook.T)
         + jnp.sum(codebook * codebook, axis=1)[None, :])
    idx = jnp.argmin(d, axis=-1)
    q = jnp.take(codebook, idx, axis=0)
    # straight-through estimator
    q_st = flat + jax.lax.stop_gradient(q - flat)
    # commitment loss (commitment_weight = 1.0)
    commit_loss = jnp.mean((jax.lax.stop_gradient(q) - flat) ** 2)
    # decoder MLP
    qz = q_st.reshape(x.shape[0], NTOK * EMBED)
    r = jax.nn.gelu(qz @ dec_W1 + dec_b1, approximate=False)
    r = jax.nn.gelu(r @ dec_W2 + dec_b2, approximate=False)
    rec = r @ dec_W3 + dec_b3
    indices = idx.reshape(x.shape[0], NTOK)
    return rec, indices, commit_loss

if __name__ == "__main__":
    import jax
    _d = setup_inputs()
    print(jax.jit(kernel)(*tuple(_d.values())))

</pallas_src>

<mosaic_0001>
#map = affine_map<(d0, d1) -> (0, 0)>
#map1 = affine_map<(d0, d1) -> (0)>
module attributes {stable_mosaic.version = 14 : i64} {
  func.func @_sc_gather(%arg0: i32, %arg1: i32, %arg2: memref<1024x128xf32, #tpu.memory_space<hbm>>, %arg3: memref<131072xi32, #tpu.memory_space<hbm>>, %arg4: memref<131072x128xf32, #tpu.memory_space<hbm>>, %arg5: memref<512xi32, #tpu.memory_space<vmem>>, %arg6: memref<512x128xf32, #tpu.memory_space<vmem>>, %arg7: memref<!tpu.dma_semaphore, #tpu.memory_space<semaphore_mem>>) attributes {dimension_semantics = [#tpu.dimension_semantics<core_parallel>, #tpu.dimension_semantics<subcore_parallel>], iteration_bounds = array<i64: 2, 16>, scalar_prefetch = 0 : i64, scratch_operands = 3 : i64, tpu.core_type = #tpu.core_type<sc_vector_subcore>, window_params = [{transform_indices = #map}, {transform_indices = #map1}, {transform_indices = #map}]} {
    %mul3A = arith.constant 2 : i32
    %mul3A_0 = arith.muli %arg1, %mul3A : i32
    %add3A = arith.addi %mul3A_0, %arg0 : i32
    %mul3A_1 = arith.constant 4096 : i32
    %mul3A_2 = arith.muli %add3A, %mul3A_1 : i32
    %add3A_3 = arith.constant 0 : i32
    %add3A_4 = arith.addi %mul3A_2, %add3A_3 : i32
    "tpu.region"() ({
      %run_scoped3A = tpu.sem_alloc : memref<!tpu.dma_semaphore, #tpu.memory_space<semaphore_mem>>
      %dma_start3A_65 = tpu.memref_slice %arg3[%add3A_4] : memref<131072xi32, #tpu.memory_space<hbm>> -> memref<512xi32, #tpu.memory_space<hbm>>
      %dma_start3A_66 = tpu.memref_slice %arg3[%add3A_4] : memref<131072xi32, #tpu.memory_space<hbm>> -> memref<512xi32, #tpu.memory_space<hbm>>
      tpu.enqueue_dma source(%dma_start3A_66 : memref<512xi32, #tpu.memory_space<hbm>>) target(%arg5 : memref<512xi32, #tpu.memory_space<vmem>>) target_semaphore(%run_scoped3A : memref<!tpu.dma_semaphore, #tpu.memory_space<semaphore_mem>>)
      %dma_wait3A_67 = tpu.memref_slice %arg3[%add3A_4] : memref<131072xi32, #tpu.memory_space<hbm>> -> memref<512xi32, #tpu.memory_space<hbm>>
      %dma_wait3A_68 = tpu.memref_slice %arg3[%add3A_4] : memref<131072xi32, #tpu.memory_space<hbm>> -> memref<512xi32, #tpu.memory_space<hbm>>
      tpu.wait_dma2 semaphore(%run_scoped3A : memref<!tpu.dma_semaphore, #tpu.memory_space<semaphore_mem>>) src(%dma_wait3A_68 : memref<512xi32, #tpu.memory_space<hbm>>) dst(%arg5 : memref<512xi32, #tpu.memory_space<vmem>>)
      tpu.yield
    }) : () -> ()
    %dma_start3A = arith.constant 0 : i32
    %dma_start3A_5 = arith.constant 0 : i32
    %dma_start3A_6 = tpu.memref_slice %arg2[%dma_start3A, %dma_start3A_5] : memref<1024x128xf32, #tpu.memory_space<hbm>> -> memref<1024x128xf32, #tpu.memory_space<hbm>>
    tpu.enqueue_indirect_dma source(%dma_start3A_6 : memref<1024x128xf32, #tpu.memory_space<hbm>>) target(%arg6 : memref<512x128xf32, #tpu.memory_space<vmem>>) offsets(%arg5 : memref<512xi32, #tpu.memory_space<vmem>>) semaphore(%arg7 : memref<!tpu.dma_semaphore, #tpu.memory_space<semaphore_mem>>)
    %dma_wait3A = arith.constant 0 : i32
    %dma_wait3A_7 = arith.constant 0 : i32
    %dma_wait3A_8 = tpu.memref_slice %arg2[%dma_wait3A, %dma_wait3A_7] : memref<1024x128xf32, #tpu.memory_space<hbm>> -> memref<1024x128xf32, #tpu.memory_space<hbm>>
    tpu.wait_indirect_dma semaphore(%arg7 : memref<!tpu.dma_semaphore, #tpu.memory_space<semaphore_mem>>) src(%dma_wait3A_8 : memref<1024x128xf32, #tpu.memory_space<hbm>>) dst(%arg6 : memref<512x128xf32, #tpu.memory_space<vmem>>)
    "tpu.region"() ({
      %run_scoped3A = tpu.sem_alloc : memref<!tpu.dma_semaphore, #tpu.memory_space<semaphore_mem>>
      %dma_start3A_65 = arith.constant 0 : i32
      %dma_start3A_66 = tpu.memref_slice %arg4[%add3A_4, %dma_start3A_65] : memref<131072x128xf32, #tpu.memory_space<hbm>> -> memref<512x128xf32, #tpu.memory_space<hbm>>
      %dma_start3A_67 = arith.constant 0 : i32
      %dma_start3A_68 = tpu.memref_slice %arg4[%add3A_4, %dma_start3A_67] : memref<131072x128xf32, #tpu.memory_space<hbm>> -> memref<512x128xf32, #tpu.memory_space<hbm>>
      tpu.enqueue_dma source(%arg6 : memref<512x128xf32, #tpu.memory_space<vmem>>) target(%dma_start3A_68 : memref<512x128xf32, #tpu.memory_space<hbm>>) target_semaphore(%run_scoped3A : memref<!tpu.dma_semaphore, #tpu.memory_space<semaphore_mem>>)
      %dma_wait3A_69 = arith.constant 0 : i32
      %dma_wait3A_70 = tpu.memref_slice %arg4[%add3A_4, %dma_wait3A_69] : memref<131072x128xf32, #tpu.memory_space<hbm>> -> memref<512x128xf32, #tpu.memory_space<hbm>>
      %dma_wait3A_71 = arith.constant 0 : i32
      %dma_wait3A_72 = tpu.memref_slice %arg4[%add3A_4, %dma_wait3A_71] : memref<131072x128xf32, #tpu.memory_space<hbm>> -> memref<512x128xf32, #tpu.memory_space<hbm>>
      tpu.wait_dma2 semaphore(%run_scoped3A : memref<!tpu.dma_semaphore, #tpu.memory_space<semaphore_mem>>) src(%arg6 : memref<512x128xf32, #tpu.memory_space<vmem>>) dst(%dma_wait3A_72 : memref<512x128xf32, #tpu.memory_space<hbm>>)
      tpu.yield
    }) : () -> ()
    %add3A_9 = arith.constant 512 : i32
    %add3A_10 = arith.addi %mul3A_2, %add3A_9 : i32
    "tpu.region"() ({
      %run_scoped3A = tpu.sem_alloc : memref<!tpu.dma_semaphore, #tpu.memory_space<semaphore_mem>>
      %dma_start3A_65 = tpu.memref_slice %arg3[%add3A_10] : memref<131072xi32, #tpu.memory_space<hbm>> -> memref<512xi32, #tpu.memory_space<hbm>>
      %dma_start3A_66 = tpu.memref_slice %arg3[%add3A_10] : memref<131072xi32, #tpu.memory_space<hbm>> -> memref<512xi32, #tpu.memory_space<hbm>>
      tpu.enqueue_dma source(%dma_start3A_66 : memref<512xi32, #tpu.memory_space<hbm>>) target(%arg5 : memref<512xi32, #tpu.memory_space<vmem>>) target_semaphore(%run_scoped3A : memref<!tpu.dma_semaphore, #tpu.memory_space<semaphore_mem>>)
      %dma_wait3A_67 = tpu.memref_slice %arg3[%add3A_10] : memref<131072xi32, #tpu.memory_space<hbm>> -> memref<512xi32, #tpu.memory_space<hbm>>
      %dma_wait3A_68 = tpu.memref_slice %arg3[%add3A_10] : memref<131072xi32, #tpu.memory_space<hbm>> -> memref<512xi32, #tpu.memory_space<hbm>>
      tpu.wait_dma2 semaphore(%run_scoped3A : memref<!tpu.dma_semaphore, #tpu.memory_space<semaphore_mem>>) src(%dma_wait3A_68 : memref<512xi32, #tpu.memory_space<hbm>>) dst(%arg5 : memref<512xi32, #tpu.memory_space<vmem>>)
      tpu.yield
    }) : () -> ()
    %dma_start3A_11 = arith.constant 0 : i32
    %dma_start3A_12 = arith.constant 0 : i32
    %dma_start3A_13 = tpu.memref_slice %arg2[%dma_start3A_11, %dma_start3A_12] : memref<1024x128xf32, #tpu.memory_space<hbm>> -> memref<1024x128xf32, #tpu.memory_space<hbm>>
    tpu.enqueue_indirect_dma source(%dma_start3A_13 : memref<1024x128xf32, #tpu.memory_space<hbm>>) target(%arg6 : memref<512x128xf32, #tpu.memory_space<vmem>>) offsets(%arg5 : memref<512xi32, #tpu.memory_space<vmem>>) semaphore(%arg7 : memref<!tpu.dma_semaphore, #tpu.memory_space<semaphore_mem>>)
    %dma_wait3A_14 = arith.constant 0 : i32
    %dma_wait3A_15 = arith.constant 0 : i32
    %dma_wait3A_16 = tpu.memref_slice %arg2[%dma_wait3A_14, %dma_wait3A_15] : memref<1024x128xf32, #tpu.memory_space<hbm>> -> memref<1024x128xf32, #tpu.memory_space<hbm>>
    tpu.wait_indirect_dma semaphore(%arg7 : memref<!tpu.dma_semaphore, #tpu.memory_space<semaphore_mem>>) src(%dma_wait3A_16 : memref<1024x128xf32, #tpu.memory_space<hbm>>) dst(%arg6 : memref<512x128xf32, #tpu.memory_space<vmem>>)
    "tpu.region"() ({
      %run_scoped3A = tpu.sem_alloc : memref<!tpu.dma_semaphore, #tpu.memory_space<semaphore_mem>>
      %dma_start3A_65 = arith.constant 0 : i32
      %dma_start3A_66 = tpu.memref_slice %arg4[%add3A_10, %dma_start3A_65] : memref<131072x128xf32, #tpu.memory_space<hbm>> -> memref<512x128xf32, #tpu.memory_space<hbm>>
      %dma_start3A_67 = arith.constant 0 : i32
      %dma_start3A_68 = tpu.memref_slice %arg4[%add3A_10, %dma_start3A_67] : memref<131072x128xf32, #tpu.memory_space<hbm>> -> memref<512x128xf32, #tpu.memory_space<hbm>>
      tpu.enqueue_dma source(%arg6 : memref<512x128xf32, #tpu.memory_space<vmem>>) target(%dma_start3A_68 : memref<512x128xf32, #tpu.memory_space<hbm>>) target_semaphore(%run_scoped3A : memref<!tpu.dma_semaphore, #tpu.memory_space<semaphore_mem>>)
      %dma_wait3A_69 = arith.constant 0 : i32
      %dma_wait3A_70 = tpu.memref_slice %arg4[%add3A_10, %dma_wait3A_69] : memref<131072x128xf32, #tpu.memory_space<hbm>> -> memref<512x128xf32, #tpu.memory_space<hbm>>
      %dma_wait3A_71 = arith.constant 0 : i32
      %dma_wait3A_72 = tpu.memref_slice %arg4[%add3A_10, %dma_wait3A_71] : memref<131072x128xf32, #tpu.memory_space<hbm>> -> memref<512x128xf32, #tpu.memory_space<hbm>>
      tpu.wait_dma2 semaphore(%run_scoped3A : memref<!tpu.dma_semaphore, #tpu.memory_space<semaphore_mem>>) src(%arg6 : memref<512x128xf32, #tpu.memory_space<vmem>>) dst(%dma_wait3A_72 : memref<512x128xf32, #tpu.memory_space<hbm>>)
      tpu.yield
    }) : () -> ()
    %add3A_17 = arith.constant 1024 : i32
    %add3A_18 = arith.addi %mul3A_2, %add3A_17 : i32
    "tpu.region"() ({
      %run_scoped3A = tpu.sem_alloc : memref<!tpu.dma_semaphore, #tpu.memory_space<semaphore_mem>>
      %dma_start3A_65 = tpu.memref_slice %arg3[%add3A_18] : memref<131072xi32, #tpu.memory_space<hbm>> -> memref<512xi32, #tpu.memory_space<hbm>>
      %dma_start3A_66 = tpu.memref_slice %arg3[%add3A_18] : memref<131072xi32, #tpu.memory_space<hbm>> -> memref<512xi32, #tpu.memory_space<hbm>>
      tpu.enqueue_dma source(%dma_start3A_66 : memref<512xi32, #tpu.memory_space<hbm>>) target(%arg5 : memref<512xi32, #tpu.memory_space<vmem>>) target_semaphore(%run_scoped3A : memref<!tpu.dma_semaphore, #tpu.memory_space<semaphore_mem>>)
      %dma_wait3A_67 = tpu.memref_slice %arg3[%add3A_18] : memref<131072xi32, #tpu.memory_space<hbm>> -> memref<512xi32, #tpu.memory_space<hbm>>
      %dma_wait3A_68 = tpu.memref_slice %arg3[%add3A_18] : memref<131072xi32, #tpu.memory_space<hbm>> -> memref<512xi32, #tpu.memory_space<hbm>>
      tpu.wait_dma2 semaphore(%run_scoped3A : memref<!tpu.dma_semaphore, #tpu.memory_space<semaphore_mem>>) src(%dma_wait3A_68 : memref<512xi32, #tpu.memory_space<hbm>>) dst(%arg5 : memref<512xi32, #tpu.memory_space<vmem>>)
      tpu.yield
    }) : () -> ()
    %dma_start3A_19 = arith.constant 0 : i32
    %dma_start3A_20 = arith.constant 0 : i32
    %dma_start3A_21 = tpu.memref_slice %arg2[%dma_start3A_19, %dma_start3A_20] : memref<1024x128xf32, #tpu.memory_space<hbm>> -> memref<1024x128xf32, #tpu.memory_space<hbm>>
    tpu.enqueue_indirect_dma source(%dma_start3A_21 : memref<1024x128xf32, #tpu.memory_space<hbm>>) target(%arg6 : memref<512x128xf32, #tpu.memory_space<vmem>>) offsets(%arg5 : memref<512xi32, #tpu.memory_space<vmem>>) semaphore(%arg7 : memref<!tpu.dma_semaphore, #tpu.memory_space<semaphore_mem>>)
    %dma_wait3A_22 = arith.constant 0 : i32
    %dma_wait3A_23 = arith.constant 0 : i32
    %dma_wait3A_24 = tpu.memref_slice %arg2[%dma_wait3A_22, %dma_wait3A_23] : memref<1024x128xf32, #tpu.memory_space<hbm>> -> memref<1024x128xf32, #tpu.memory_space<hbm>>
    tpu.wait_indirect_dma semaphore(%arg7 : memref<!tpu.dma_semaphore, #tpu.memory_space<semaphore_mem>>) src(%dma_wait3A_24 : memref<1024x128xf32, #tpu.memory_space<hbm>>) dst(%arg6 : memref<512x128xf32, #tpu.memory_space<vmem>>)
    "tpu.region"() ({
      %run_scoped3A = tpu.sem_alloc : memref<!tpu.dma_semaphore, #tpu.memory_space<semaphore_mem>>
      %dma_start3A_65 = arith.constant 0 : i32
      %dma_start3A_66 = tpu.memref_slice %arg4[%add3A_18, %dma_start3A_65] : memref<131072x128xf32, #tpu.memory_space<hbm>> -> memref<512x128xf32, #tpu.memory_space<hbm>>
      %dma_start3A_67 = arith.constant 0 : i32
      %dma_start3A_68 = tpu.memref_slice %arg4[%add3A_18, %dma_start3A_67] : memref<131072x128xf32, #tpu.memory_space<hbm>> -> memref<512x128xf32, #tpu.memory_space<hbm>>
      tpu.enqueue_dma source(%arg6 : memref<512x128xf32, #tpu.memory_space<vmem>>) target(%dma_start3A_68 : memref<512x128xf32, #tpu.memory_space<hbm>>) target_semaphore(%run_scoped3A : memref<!tpu.dma_semaphore, #tpu.memory_space<semaphore_mem>>)
      %dma_wait3A_69 = arith.constant 0 : i32
      %dma_wait3A_70 = tpu.memref_slice %arg4[%add3A_18, %dma_wait3A_69] : memref<131072x128xf32, #tpu.memory_space<hbm>> -> memref<512x128xf32, #tpu.memory_space<hbm>>
      %dma_wait3A_71 = arith.constant 0 : i32
      %dma_wait3A_72 = tpu.memref_slice %arg4[%add3A_18, %dma_wait3A_71] : memref<131072x128xf32, #tpu.memory_space<hbm>> -> memref<512x128xf32, #tpu.memory_space<hbm>>
      tpu.wait_dma2 semaphore(%run_scoped3A : memref<!tpu.dma_semaphore, #tpu.memory_space<semaphore_mem>>) src(%arg6 : memref<512x128xf32, #tpu.memory_space<vmem>>) dst(%dma_wait3A_72 : memref<512x128xf32, #tpu.memory_space<hbm>>)
      tpu.yield
    }) : () -> ()
    %add3A_25 = arith.constant 1536 : i32
    %add3A_26 = arith.addi %mul3A_2, %add3A_25 : i32
    "tpu.region"() ({
      %run_scoped3A = tpu.sem_alloc : memref<!tpu.dma_semaphore, #tpu.memory_space<semaphore_mem>>
      %dma_start3A_65 = tpu.memref_slice %arg3[%add3A_26] : memref<131072xi32, #tpu.memory_space<hbm>> -> memref<512xi32, #tpu.memory_space<hbm>>
      %dma_start3A_66 = tpu.memref_slice %arg3[%add3A_26] : memref<131072xi32, #tpu.memory_space<hbm>> -> memref<512xi32, #tpu.memory_space<hbm>>
      tpu.enqueue_dma source(%dma_start3A_66 : memref<512xi32, #tpu.memory_space<hbm>>) target(%arg5 : memref<512xi32, #tpu.memory_space<vmem>>) target_semaphore(%run_scoped3A : memref<!tpu.dma_semaphore, #tpu.memory_space<semaphore_mem>>)
      %dma_wait3A_67 = tpu.memref_slice %arg3[%add3A_26] : memref<131072xi32, #tpu.memory_space<hbm>> -> memref<512xi32, #tpu.memory_space<hbm>>
      %dma_wait3A_68 = tpu.memref_slice %arg3[%add3A_26] : memref<131072xi32, #tpu.memory_space<hbm>> -> memref<512xi32, #tpu.memory_space<hbm>>
      tpu.wait_dma2 semaphore(%run_scoped3A : memref<!tpu.dma_semaphore, #tpu.memory_space<semaphore_mem>>) src(%dma_wait3A_68 : memref<512xi32, #tpu.memory_space<hbm>>) dst(%arg5 : memref<512xi32, #tpu.memory_space<vmem>>)
      tpu.yield
    }) : () -> ()
    %dma_start3A_27 = arith.constant 0 : i32
    %dma_start3A_28 = arith.constant 0 : i32
    %dma_start3A_29 = tpu.memref_slice %arg2[%dma_start3A_27, %dma_start3A_28] : memref<1024x128xf32, #tpu.memory_space<hbm>> -> memref<1024x128xf32, #tpu.memory_space<hbm>>
    tpu.enqueue_indirect_dma source(%dma_start3A_29 : memref<1024x128xf32, #tpu.memory_space<hbm>>) target(%arg6 : memref<512x128xf32, #tpu.memory_space<vmem>>) offsets(%arg5 : memref<512xi32, #tpu.memory_space<vmem>>) semaphore(%arg7 : memref<!tpu.dma_semaphore, #tpu.memory_space<semaphore_mem>>)
    %dma_wait3A_30 = arith.constant 0 : i32
    %dma_wait3A_31 = arith.constant 0 : i32
    %dma_wait3A_32 = tpu.memref_slice %arg2[%dma_wait3A_30, %dma_wait3A_31] : memref<1024x128xf32, #tpu.memory_space<hbm>> -> memref<1024x128xf32, #tpu.memory_space<hbm>>
    tpu.wait_indirect_dma semaphore(%arg7 : memref<!tpu.dma_semaphore, #tpu.memory_space<semaphore_mem>>) src(%dma_wait3A_32 : memref<1024x128xf32, #tpu.memory_space<hbm>>) dst(%arg6 : memref<512x128xf32, #tpu.memory_space<vmem>>)
    "tpu.region"() ({
      %run_scoped3A = tpu.sem_alloc : memref<!tpu.dma_semaphore, #tpu.memory_space<semaphore_mem>>
      %dma_start3A_65 = arith.constant 0 : i32
      %dma_start3A_66 = tpu.memref_slice %arg4[%add3A_26, %dma_start3A_65] : memref<131072x128xf32, #tpu.memory_space<hbm>> -> memref<512x128xf32, #tpu.memory_space<hbm>>
      %dma_start3A_67 = arith.constant 0 : i32
      %dma_start3A_68 = tpu.memref_slice %arg4[%add3A_26, %dma_start3A_67] : memref<131072x128xf32, #tpu.memory_space<hbm>> -> memref<512x128xf32, #tpu.memory_space<hbm>>
      tpu.enqueue_dma source(%arg6 : memref<512x128xf32, #tpu.memory_space<vmem>>) target(%dma_start3A_68 : memref<512x128xf32, #tpu.memory_space<hbm>>) target_semaphore(%run_scoped3A : memref<!tpu.dma_semaphore, #tpu.memory_space<semaphore_mem>>)
      %dma_wait3A_69 = arith.constant 0 : i32
      %dma_wait3A_70 = tpu.memref_slice %arg4[%add3A_26, %dma_wait3A_69] : memref<131072x128xf32, #tpu.memory_space<hbm>> -> memref<512x128xf32, #tpu.memory_space<hbm>>
      %dma_wait3A_71 = arith.constant 0 : i32
      %dma_wait3A_72 = tpu.memref_slice %arg4[%add3A_26, %dma_wait3A_71] : memref<131072x128xf32, #tpu.memory_space<hbm>> -> memref<512x128xf32, #tpu.memory_space<hbm>>
      tpu.wait_dma2 semaphore(%run_scoped3A : memref<!tpu.dma_semaphore, #tpu.memory_space<semaphore_mem>>) src(%arg6 : memref<512x128xf32, #tpu.memory_space<vmem>>) dst(%dma_wait3A_72 : memref<512x128xf32, #tpu.memory_space<hbm>>)
      tpu.yield
    }) : () -> ()
    %add3A_33 = arith.constant 2048 : i32
    %add3A_34 = arith.addi %mul3A_2, %add3A_33 : i32
    "tpu.region"() ({
      %run_scoped3A = tpu.sem_alloc : memref<!tpu.dma_semaphore, #tpu.memory_space<semaphore_mem>>
      %dma_start3A_65 = tpu.memref_slice %arg3[%add3A_34] : memref<131072xi32, #tpu.memory_space<hbm>> -> memref<512xi32, #tpu.memory_space<hbm>>
      %dma_start3A_66 = tpu.memref_slice %arg3[%add3A_34] : memref<131072xi32, #tpu.memory_space<hbm>> -> memref<512xi32, #tpu.memory_space<hbm>>
      tpu.enqueue_dma source(%dma_start3A_66 : memref<512xi32, #tpu.memory_space<hbm>>) target(%arg5 : memref<512xi32, #tpu.memory_space<vmem>>) target_semaphore(%run_scoped3A : memref<!tpu.dma_semaphore, #tpu.memory_space<semaphore_mem>>)
      %dma_wait3A_67 = tpu.memref_slice %arg3[%add3A_34] : memref<131072xi32, #tpu.memory_space<hbm>> -> memref<512xi32, #tpu.memory_space<hbm>>
      %dma_wait3A_68 = tpu.memref_slice %arg3[%add3A_34] : memref<131072xi32, #tpu.memory_space<hbm>> -> memref<512xi32, #tpu.memory_space<hbm>>
      tpu.wait_dma2 semaphore(%run_scoped3A : memref<!tpu.dma_semaphore, #tpu.memory_space<semaphore_mem>>) src(%dma_wait3A_68 : memref<512xi32, #tpu.memory_space<hbm>>) dst(%arg5 : memref<512xi32, #tpu.memory_space<vmem>>)
      tpu.yield
    }) : () -> ()
    %dma_start3A_35 = arith.constant 0 : i32
    %dma_start3A_36 = arith.constant 0 : i32
    %dma_start3A_37 = tpu.memref_slice %arg2[%dma_start3A_35, %dma_start3A_36] : memref<1024x128xf32, #tpu.memory_space<hbm>> -> memref<1024x128xf32, #tpu.memory_space<hbm>>
    tpu.enqueue_indirect_dma source(%dma_start3A_37 : memref<1024x128xf32, #tpu.memory_space<hbm>>) target(%arg6 : memref<512x128xf32, #tpu.memory_space<vmem>>) offsets(%arg5 : memref<512xi32, #tpu.memory_space<vmem>>) semaphore(%arg7 : memref<!tpu.dma_semaphore, #tpu.memory_space<semaphore_mem>>)
    %dma_wait3A_38 = arith.constant 0 : i32
    %dma_wait3A_39 = arith.constant 0 : i32
    %dma_wait3A_40 = tpu.memref_slice %arg2[%dma_wait3A_38, %dma_wait3A_39] : memref<1024x128xf32, #tpu.memory_space<hbm>> -> memref<1024x128xf32, #tpu.memory_space<hbm>>
    tpu.wait_indirect_dma semaphore(%arg7 : memref<!tpu.dma_semaphore, #tpu.memory_space<semaphore_mem>>) src(%dma_wait3A_40 : memref<1024x128xf32, #tpu.memory_space<hbm>>) dst(%arg6 : memref<512x128xf32, #tpu.memory_space<vmem>>)
    "tpu.region"() ({
      %run_scoped3A = tpu.sem_alloc : memref<!tpu.dma_semaphore, #tpu.memory_space<semaphore_mem>>
      %dma_start3A_65 = arith.constant 0 : i32
      %dma_start3A_66 = tpu.memref_slice %arg4[%add3A_34, %dma_start3A_65] : memref<131072x128xf32, #tpu.memory_space<hbm>> -> memref<512x128xf32, #tpu.memory_space<hbm>>
      %dma_start3A_67 = arith.constant 0 : i32
      %dma_start3A_68 = tpu.memref_slice %arg4[%add3A_34, %dma_start3A_67] : memref<131072x128xf32, #tpu.memory_space<hbm>> -> memref<512x128xf32, #tpu.memory_space<hbm>>
      tpu.enqueue_dma source(%arg6 : memref<512x128xf32, #tpu.memory_space<vmem>>) target(%dma_start3A_68 : memref<512x128xf32, #tpu.memory_space<hbm>>) target_semaphore(%run_scoped3A : memref<!tpu.dma_semaphore, #tpu.memory_space<semaphore_mem>>)
      %dma_wait3A_69 = arith.constant 0 : i32
      %dma_wait3A_70 = tpu.memref_slice %arg4[%add3A_34, %dma_wait3A_69] : memref<131072x128xf32, #tpu.memory_space<hbm>> -> memref<512x128xf32, #tpu.memory_space<hbm>>
      %dma_wait3A_71 = arith.constant 0 : i32
      %dma_wait3A_72 = tpu.memref_slice %arg4[%add3A_34, %dma_wait3A_71] : memref<131072x128xf32, #tpu.memory_space<hbm>> -> memref<512x128xf32, #tpu.memory_space<hbm>>
      tpu.wait_dma2 semaphore(%run_scoped3A : memref<!tpu.dma_semaphore, #tpu.memory_space<semaphore_mem>>) src(%arg6 : memref<512x128xf32, #tpu.memory_space<vmem>>) dst(%dma_wait3A_72 : memref<512x128xf32, #tpu.memory_space<hbm>>)
      tpu.yield
    }) : () -> ()
    %add3A_41 = arith.constant 2560 : i32
    %add3A_42 = arith.addi %mul3A_2, %add3A_41 : i32
    "tpu.region"() ({
      %run_scoped3A = tpu.sem_alloc : memref<!tpu.dma_semaphore, #tpu.memory_space<semaphore_mem>>
      %dma_start3A_65 = tpu.memref_slice %arg3[%add3A_42] : memref<131072xi32, #tpu.memory_space<hbm>> -> memref<512xi32, #tpu.memory_space<hbm>>
      %dma_start3A_66 = tpu.memref_slice %arg3[%add3A_42] : memref<131072xi32, #tpu.memory_space<hbm>> -> memref<512xi32, #tpu.memory_space<hbm>>
      tpu.enqueue_dma source(%dma_start3A_66 : memref<512xi32, #tpu.memory_space<hbm>>) target(%arg5 : memref<512xi32, #tpu.memory_space<vmem>>) target_semaphore(%run_scoped3A : memref<!tpu.dma_semaphore, #tpu.memory_space<semaphore_mem>>)
      %dma_wait3A_67 = tpu.memref_slice %arg3[%add3A_42] : memref<131072xi32, #tpu.memory_space<hbm>> -> memref<512xi32, #tpu.memory_space<hbm>>
      %dma_wait3A_68 = tpu.memref_slice %arg3[%add3A_42] : memref<131072xi32, #tpu.memory_space<hbm>> -> memref<512xi32, #tpu.memory_space<hbm>>
      tpu.wait_dma2 semaphore(%run_scoped3A : memref<!tpu.dma_semaphore, #tpu.memory_space<semaphore_mem>>) src(%dma_wait3A_68 : memref<512xi32, #tpu.memory_space<hbm>>) dst(%arg5 : memref<512xi32, #tpu.memory_space<vmem>>)
      tpu.yield
    }) : () -> ()
    %dma_start3A_43 = arith.constant 0 : i32
    %dma_start3A_44 = arith.constant 0 : i32
    %dma_start3A_45 = tpu.memref_slice %arg2[%dma_start3A_43, %dma_start3A_44] : memref<1024x128xf32, #tpu.memory_space<hbm>> -> memref<1024x128xf32, #tpu.memory_space<hbm>>
    tpu.enqueue_indirect_dma source(%dma_start3A_45 : memref<1024x128xf32, #tpu.memory_space<hbm>>) target(%arg6 : memref<512x128xf32, #tpu.memory_space<vmem>>) offsets(%arg5 : memref<512xi32, #tpu.memory_space<vmem>>) semaphore(%arg7 : memref<!tpu.dma_semaphore, #tpu.memory_space<semaphore_mem>>)
    %dma_wait3A_46 = arith.constant 0 : i32
    %dma_wait3A_47 = arith.constant 0 : i32
    %dma_wait3A_48 = tpu.memref_slice %arg2[%dma_wait3A_46, %dma_wait3A_47] : memref<1024x128xf32, #tpu.memory_space<hbm>> -> memref<1024x128xf32, #tpu.memory_space<hbm>>
    tpu.wait_indirect_dma semaphore(%arg7 : memref<!tpu.dma_semaphore, #tpu.memory_space<semaphore_mem>>) src(%dma_wait3A_48 : memref<1024x128xf32, #tpu.memory_space<hbm>>) dst(%arg6 : memref<512x128xf32, #tpu.memory_space<vmem>>)
    "tpu.region"() ({
      %run_scoped3A = tpu.sem_alloc : memref<!tpu.dma_semaphore, #tpu.memory_space<semaphore_mem>>
      %dma_start3A_65 = arith.constant 0 : i32
      %dma_start3A_66 = tpu.memref_slice %arg4[%add3A_42, %dma_start3A_65] : memref<131072x128xf32, #tpu.memory_space<hbm>> -> memref<512x128xf32, #tpu.memory_space<hbm>>
      %dma_start3A_67 = arith.constant 0 : i32
      %dma_start3A_68 = tpu.memref_slice %arg4[%add3A_42, %dma_start3A_67] : memref<131072x128xf32, #tpu.memory_space<hbm>> -> memref<512x128xf32, #tpu.memory_space<hbm>>
      tpu.enqueue_dma source(%arg6 : memref<512x128xf32, #tpu.memory_space<vmem>>) target(%dma_start3A_68 : memref<512x128xf32, #tpu.memory_space<hbm>>) target_semaphore(%run_scoped3A : memref<!tpu.dma_semaphore, #tpu.memory_space<semaphore_mem>>)
      %dma_wait3A_69 = arith.constant 0 : i32
      %dma_wait3A_70 = tpu.memref_slice %arg4[%add3A_42, %dma_wait3A_69] : memref<131072x128xf32, #tpu.memory_space<hbm>> -> memref<512x128xf32, #tpu.memory_space<hbm>>
      %dma_wait3A_71 = arith.constant 0 : i32
      %dma_wait3A_72 = tpu.memref_slice %arg4[%add3A_42, %dma_wait3A_71] : memref<131072x128xf32, #tpu.memory_space<hbm>> -> memref<512x128xf32, #tpu.memory_space<hbm>>
      tpu.wait_dma2 semaphore(%run_scoped3A : memref<!tpu.dma_semaphore, #tpu.memory_space<semaphore_mem>>) src(%arg6 : memref<512x128xf32, #tpu.memory_space<vmem>>) dst(%dma_wait3A_72 : memref<512x128xf32, #tpu.memory_space<hbm>>)
      tpu.yield
    }) : () -> ()
    %add3A_49 = arith.constant 3072 : i32
    %add3A_50 = arith.addi %mul3A_2, %add3A_49 : i32
    "tpu.region"() ({
      %run_scoped3A = tpu.sem_alloc : memref<!tpu.dma_semaphore, #tpu.memory_space<semaphore_mem>>
      %dma_start3A_65 = tpu.memref_slice %arg3[%add3A_50] : memref<131072xi32, #tpu.memory_space<hbm>> -> memref<512xi32, #tpu.memory_space<hbm>>
      %dma_start3A_66 = tpu.memref_slice %arg3[%add3A_50] : memref<131072xi32, #tpu.memory_space<hbm>> -> memref<512xi32, #tpu.memory_space<hbm>>
      tpu.enqueue_dma source(%dma_start3A_66 : memref<512xi32, #tpu.memory_space<hbm>>) target(%arg5 : memref<512xi32, #tpu.memory_space<vmem>>) target_semaphore(%run_scoped3A : memref<!tpu.dma_semaphore, #tpu.memory_space<semaphore_mem>>)
      %dma_wait3A_67 = tpu.memref_slice %arg3[%add3A_50] : memref<131072xi32, #tpu.memory_space<hbm>> -> memref<512xi32, #tpu.memory_space<hbm>>
      %dma_wait3A_68 = tpu.memref_slice %arg3[%add3A_50] : memref<131072xi32, #tpu.memory_space<hbm>> -> memref<512xi32, #tpu.memory_space<hbm>>
      tpu.wait_dma2 semaphore(%run_scoped3A : memref<!tpu.dma_semaphore, #tpu.memory_space<semaphore_mem>>) src(%dma_wait3A_68 : memref<512xi32, #tpu.memory_space<hbm>>) dst(%arg5 : memref<512xi32, #tpu.memory_space<vmem>>)
      tpu.yield
    }) : () -> ()
    %dma_start3A_51 = arith.constant 0 : i32
    %dma_start3A_52 = arith.constant 0 : i32
    %dma_start3A_53 = tpu.memref_slice %arg2[%dma_start3A_51, %dma_start3A_52] : memref<1024x128xf32, #tpu.memory_space<hbm>> -> memref<1024x128xf32, #tpu.memory_space<hbm>>
    tpu.enqueue_indirect_dma source(%dma_start3A_53 : memref<1024x128xf32, #tpu.memory_space<hbm>>) target(%arg6 : memref<512x128xf32, #tpu.memory_space<vmem>>) offsets(%arg5 : memref<512xi32, #tpu.memory_space<vmem>>) semaphore(%arg7 : memref<!tpu.dma_semaphore, #tpu.memory_space<semaphore_mem>>)
    %dma_wait3A_54 = arith.constant 0 : i32
    %dma_wait3A_55 = arith.constant 0 : i32
    %dma_wait3A_56 = tpu.memref_slice %arg2[%dma_wait3A_54, %dma_wait3A_55] : memref<1024x128xf32, #tpu.memory_space<hbm>> -> memref<1024x128xf32, #tpu.memory_space<hbm>>
    tpu.wait_indirect_dma semaphore(%arg7 : memref<!tpu.dma_semaphore, #tpu.memory_space<semaphore_mem>>) src(%dma_wait3A_56 : memref<1024x128xf32, #tpu.memory_space<hbm>>) dst(%arg6 : memref<512x128xf32, #tpu.memory_space<vmem>>)
    "tpu.region"() ({
      %run_scoped3A = tpu.sem_alloc : memref<!tpu.dma_semaphore, #tpu.memory_space<semaphore_mem>>
      %dma_start3A_65 = arith.constant 0 : i32
      %dma_start3A_66 = tpu.memref_slice %arg4[%add3A_50, %dma_start3A_65] : memref<131072x128xf32, #tpu.memory_space<hbm>> -> memref<512x128xf32, #tpu.memory_space<hbm>>
      %dma_start3A_67 = arith.constant 0 : i32
      %dma_start3A_68 = tpu.memref_slice %arg4[%add3A_50, %dma_start3A_67] : memref<131072x128xf32, #tpu.memory_space<hbm>> -> memref<512x128xf32, #tpu.memory_space<hbm>>
      tpu.enqueue_dma source(%arg6 : memref<512x128xf32, #tpu.memory_space<vmem>>) target(%dma_start3A_68 : memref<512x128xf32, #tpu.memory_space<hbm>>) target_semaphore(%run_scoped3A : memref<!tpu.dma_semaphore, #tpu.memory_space<semaphore_mem>>)
      %dma_wait3A_69 = arith.constant 0 : i32
      %dma_wait3A_70 = tpu.memref_slice %arg4[%add3A_50, %dma_wait3A_69] : memref<131072x128xf32, #tpu.memory_space<hbm>> -> memref<512x128xf32, #tpu.memory_space<hbm>>
      %dma_wait3A_71 = arith.constant 0 : i32
      %dma_wait3A_72 = tpu.memref_slice %arg4[%add3A_50, %dma_wait3A_71] : memref<131072x128xf32, #tpu.memory_space<hbm>> -> memref<512x128xf32, #tpu.memory_space<hbm>>
      tpu.wait_dma2 semaphore(%run_scoped3A : memref<!tpu.dma_semaphore, #tpu.memory_space<semaphore_mem>>) src(%arg6 : memref<512x128xf32, #tpu.memory_space<vmem>>) dst(%dma_wait3A_72 : memref<512x128xf32, #tpu.memory_space<hbm>>)
      tpu.yield
    }) : () -> ()
    %add3A_57 = arith.constant 3584 : i32
    %add3A_58 = arith.addi %mul3A_2, %add3A_57 : i32
    "tpu.region"() ({
      %run_scoped3A = tpu.sem_alloc : memref<!tpu.dma_semaphore, #tpu.memory_space<semaphore_mem>>
      %dma_start3A_65 = tpu.memref_slice %arg3[%add3A_58] : memref<131072xi32, #tpu.memory_space<hbm>> -> memref<512xi32, #tpu.memory_space<hbm>>
      %dma_start3A_66 = tpu.memref_slice %arg3[%add3A_58] : memref<131072xi32, #tpu.memory_space<hbm>> -> memref<512xi32, #tpu.memory_space<hbm>>
      tpu.enqueue_dma source(%dma_start3A_66 : memref<512xi32, #tpu.memory_space<hbm>>) target(%arg5 : memref<512xi32, #tpu.memory_space<vmem>>) target_semaphore(%run_scoped3A : memref<!tpu.dma_semaphore, #tpu.memory_space<semaphore_mem>>)
      %dma_wait3A_67 = tpu.memref_slice %arg3[%add3A_58] : memref<131072xi32, #tpu.memory_space<hbm>> -> memref<512xi32, #tpu.memory_space<hbm>>
      %dma_wait3A_68 = tpu.memref_slice %arg3[%add3A_58] : memref<131072xi32, #tpu.memory_space<hbm>> -> memref<512xi32, #tpu.memory_space<hbm>>
      tpu.wait_dma2 semaphore(%run_scoped3A : memref<!tpu.dma_semaphore, #tpu.memory_space<semaphore_mem>>) src(%dma_wait3A_68 : memref<512xi32, #tpu.memory_space<hbm>>) dst(%arg5 : memref<512xi32, #tpu.memory_space<vmem>>)
      tpu.yield
    }) : () -> ()
    %dma_start3A_59 = arith.constant 0 : i32
    %dma_start3A_60 = arith.constant 0 : i32
    %dma_start3A_61 = tpu.memref_slice %arg2[%dma_start3A_59, %dma_start3A_60] : memref<1024x128xf32, #tpu.memory_space<hbm>> -> memref<1024x128xf32, #tpu.memory_space<hbm>>
    tpu.enqueue_indirect_dma source(%dma_start3A_61 : memref<1024x128xf32, #tpu.memory_space<hbm>>) target(%arg6 : memref<512x128xf32, #tpu.memory_space<vmem>>) offsets(%arg5 : memref<512xi32, #tpu.memory_space<vmem>>) semaphore(%arg7 : memref<!tpu.dma_semaphore, #tpu.memory_space<semaphore_mem>>)
    %dma_wait3A_62 = arith.constant 0 : i32
    %dma_wait3A_63 = arith.constant 0 : i32
    %dma_wait3A_64 = tpu.memref_slice %arg2[%dma_wait3A_62, %dma_wait3A_63] : memref<1024x128xf32, #tpu.memory_space<hbm>> -> memref<1024x128xf32, #tpu.memory_space<hbm>>
    tpu.wait_indirect_dma semaphore(%arg7 : memref<!tpu.dma_semaphore, #tpu.memory_space<semaphore_mem>>) src(%dma_wait3A_64 : memref<1024x128xf32, #tpu.memory_space<hbm>>) dst(%arg6 : memref<512x128xf32, #tpu.memory_space<vmem>>)
    "tpu.region"() ({
      %run_scoped3A = tpu.sem_alloc : memref<!tpu.dma_semaphore, #tpu.memory_space<semaphore_mem>>
      %dma_start3A_65 = arith.constant 0 : i32
      %dma_start3A_66 = tpu.memref_slice %arg4[%add3A_58, %dma_start3A_65] : memref<131072x128xf32, #tpu.memory_space<hbm>> -> memref<512x128xf32, #tpu.memory_space<hbm>>
      %dma_start3A_67 = arith.constant 0 : i32
      %dma_start3A_68 = tpu.memref_slice %arg4[%add3A_58, %dma_start3A_67] : memref<131072x128xf32, #tpu.memory_space<hbm>> -> memref<512x128xf32, #tpu.memory_space<hbm>>
      tpu.enqueue_dma source(%arg6 : memref<512x128xf32, #tpu.memory_space<vmem>>) target(%dma_start3A_68 : memref<512x128xf32, #tpu.memory_space<hbm>>) target_semaphore(%run_scoped3A : memref<!tpu.dma_semaphore, #tpu.memory_space<semaphore_mem>>)
      %dma_wait3A_69 = arith.constant 0 : i32
      %dma_wait3A_70 = tpu.memref_slice %arg4[%add3A_58, %dma_wait3A_69] : memref<131072x128xf32, #tpu.memory_space<hbm>> -> memref<512x128xf32, #tpu.memory_space<hbm>>
      %dma_wait3A_71 = arith.constant 0 : i32
      %dma_wait3A_72 = tpu.memref_slice %arg4[%add3A_58, %dma_wait3A_71] : memref<131072x128xf32, #tpu.memory_space<hbm>> -> memref<512x128xf32, #tpu.memory_space<hbm>>
      tpu.wait_dma2 semaphore(%run_scoped3A : memref<!tpu.dma_semaphore, #tpu.memory_space<semaphore_mem>>) src(%arg6 : memref<512x128xf32, #tpu.memory_space<vmem>>) dst(%dma_wait3A_72 : memref<512x128xf32, #tpu.memory_space<hbm>>)
      tpu.yield
    }) : () -> ()
    return
  }
}

module attributes {stable_mosaic.version = 14 : i64} {
  func.func @_enc_kernel(%arg0: i32, %arg1: memref<512x1024xf32, #tpu.memory_space<vmem>>, %arg2: memref<1024x512xf32, #tpu.memory_space<vmem>>, %arg3: memref<1x512xf32, #tpu.memory_space<vmem>>, %arg4: memref<512x512xf32, #tpu.memory_space<vmem>>, %arg5: memref<1x512xf32, #tpu.memory_space<vmem>>, %arg6: memref<512x2048xf32, #tpu.memory_space<vmem>>, %arg7: memref<1x2048xf32, #tpu.memory_space<vmem>>, %arg8: memref<64x1024xf32, #tpu.memory_space<vmem>>, %arg9: memref<512x32xi32, #tpu.memory_space<vmem>>, %arg10: memref<1x1x128xf32, #tpu.memory_space<vmem>>) attributes {dimension_semantics = [#tpu.dimension_semantics<parallel>], iteration_bounds = array<i64: 8>, scalar_prefetch = 0 : i64, scratch_operands = 0 : i64, tpu.core_type = #tpu.core_type<tc>, window_params = [{transform_indices = @transform_0, window_bounds = array<i64: 512, 1024>}, {pipeline_mode = #tpu.pipeline_mode<synchronous>, transform_indices = @transform_1, window_bounds = array<i64: 1024, 512>}, {pipeline_mode = #tpu.pipeline_mode<synchronous>, transform_indices = @transform_2, window_bounds = array<i64: 1, 512>}, {pipeline_mode = #tpu.pipeline_mode<synchronous>, transform_indices = @transform_3, window_bounds = array<i64: 512, 512>}, {pipeline_mode = #tpu.pipeline_mode<synchronous>, transform_indices = @transform_4, window_bounds = array<i64: 1, 512>}, {pipeline_mode = #tpu.pipeline_mode<synchronous>, transform_indices = @transform_5, window_bounds = array<i64: 512, 2048>}, {pipeline_mode = #tpu.pipeline_mode<synchronous>, transform_indices = @transform_6, window_bounds = array<i64: 1, 2048>}, {pipeline_mode = #tpu.pipeline_mode<synchronous>, transform_indices = @transform_7, window_bounds = array<i64: 64, 1024>}, {transform_indices = @transform_8, window_bounds = array<i64: 512, 32>}, {transform_indices = @transform_9, window_bounds = array<i64: 1, 1, 128>}]} {
    %get3A = arith.constant 0 : index
    %get3A_0 = arith.constant 0 : index
    %get3A_1 = vector.load %arg1[%get3A, %get3A_0] : memref<512x1024xf32, #tpu.memory_space<vmem>>, vector<512x1024xf32>
    %get3A_2 = arith.constant 0 : index
    %get3A_3 = arith.constant 0 : index
    %get3A_4 = vector.load %arg2[%get3A_2, %get3A_3] : memref<1024x512xf32, #tpu.memory_space<vmem>>, vector<1024x512xf32>
    %dot_general3A = arith.constant dense<0.000000e+00> : vector<512x512xf32>
    %dot_general3A_5 = tpu.matmul %get3A_1, %get3A_4, %dot_general3A {dimension_numbers = #tpu.dot_dimension_numbers<[1], [0], [0], [1], [0, 0, 1, 1], [], []>, transpose_lhs_hint = false} : vector<512x1024xf32>, vector<1024x512xf32>, vector<512x512xf32> -> vector<512x512xf32>
    %get3A_6 = arith.constant 0 : index
    %get3A_7 = arith.constant 0 : index
    %get3A_8 = vector.load %arg3[%get3A_6, %get3A_7] : memref<1x512xf32, #tpu.memory_space<vmem>>, vector<1x512xf32>
    %add3A = vector.broadcast %get3A_8 : vector<1x512xf32> to vector<512x512xf32>
    %add3A_9 = arith.addf %dot_general3A_5, %add3A : vector<512x512xf32>
    %mul3A = arith.constant 5.000000e-01 : f32
    %mul3A_10 = vector.broadcast %mul3A : f32 to vector<512x512xf32>
    %mul3A_11 = arith.mulf %mul3A_10, %add3A_9 : vector<512x512xf32>
    %mul3A_12 = arith.constant 0.707106769 : f32
    %mul3A_13 = vector.broadcast %mul3A_12 : f32 to vector<512x512xf32>
    %mul3A_14 = arith.mulf %add3A_9, %mul3A_13 : vector<512x512xf32>
    %erf3A = math.erf %mul3A_14 : vector<512x512xf32>
    %add3A_15 = arith.constant 1.000000e+00 : f32
    %add3A_16 = vector.broadcast %add3A_15 : f32 to vector<512x512xf32>
    %add3A_17 = arith.addf %add3A_16, %erf3A : vector<512x512xf32>
    %mul3A_18 = arith.mulf %mul3A_11, %add3A_17 : vector<512x512xf32>
    %get3A_19 = arith.constant 0 : index
    %get3A_20 = arith.constant 0 : index
    %get3A_21 = vector.load %arg4[%get3A_19, %get3A_20] : memref<512x512xf32, #tpu.memory_space<vmem>>, vector<512x512xf32>
    %dot_general3A_22 = arith.constant dense<0.000000e+00> : vector<512x512xf32>
    %dot_general3A_23 = tpu.matmul %mul3A_18, %get3A_21, %dot_general3A_22 {dimension_numbers = #tpu.dot_dimension_numbers<[1], [0], [0], [1], [0, 0, 1, 1], [], []>, transpose_lhs_hint = false} : vector<512x512xf32>, vector<512x512xf32>, vector<512x512xf32> -> vector<512x512xf32>
    %get3A_24 = arith.constant 0 : index
    %get3A_25 = arith.constant 0 : index
    %get3A_26 = vector.load %arg5[%get3A_24, %get3A_25] : memref<1x512xf32, #tpu.memory_space<vmem>>, vector<1x512xf32>
    %add3A_27 = vector.broadcast %get3A_26 : vector<1x512xf32> to vector<512x512xf32>
    %add3A_28 = arith.addf %dot_general3A_23, %add3A_27 : vector<512x512xf32>
    %mul3A_29 = arith.constant 5.000000e-01 : f32
    %mul3A_30 = vector.broadcast %mul3A_29 : f32 to vector<512x512xf32>
    %mul3A_31 = arith.mulf %mul3A_30, %add3A_28 : vector<512x512xf32>
    %mul3A_32 = arith.constant 0.707106769 : f32
    %mul3A_33 = vector.broadcast %mul3A_32 : f32 to vector<512x512xf32>
    %mul3A_34 = arith.mulf %add3A_28, %mul3A_33 : vector<512x512xf32>
    %erf3A_35 = math.erf %mul3A_34 : vector<512x512xf32>
    %add3A_36 = arith.constant 1.000000e+00 : f32
    %add3A_37 = vector.broadcast %add3A_36 : f32 to vector<512x512xf32>
    %add3A_38 = arith.addf %add3A_37, %erf3A_35 : vector<512x512xf32>
    %mul3A_39 = arith.mulf %mul3A_31, %add3A_38 : vector<512x512xf32>
    %get3A_40 = arith.constant 0 : index
    %get3A_41 = arith.constant 0 : index
    %get3A_42 = vector.load %arg6[%get3A_40, %get3A_41] : memref<512x2048xf32, #tpu.memory_space<vmem>>, vector<512x2048xf32>
    %dot_general3A_43 = arith.constant dense<0.000000e+00> : vector<512x2048xf32>
    %dot_general3A_44 = tpu.matmul %mul3A_39, %get3A_42, %dot_general3A_43 {dimension_numbers = #tpu.dot_dimension_numbers<[1], [0], [0], [1], [0, 0, 1, 1], [], []>, transpose_lhs_hint = false} : vector<512x512xf32>, vector<512x2048xf32>, vector<512x2048xf32> -> vector<512x2048xf32>
    %get3A_45 = arith.constant 0 : index
    %get3A_46 = arith.constant 0 : index
    %get3A_47 = vector.load %arg7[%get3A_45, %get3A_46] : memref<1x2048xf32, #tpu.memory_space<vmem>>, vector<1x2048xf32>
    %add3A_48 = vector.broadcast %get3A_47 : vector<1x2048xf32> to vector<512x2048xf32>
    %add3A_49 = arith.addf %dot_general3A_44, %add3A_48 : vector<512x2048xf32>
    %get3A_50 = arith.constant 0 : index
    %get3A_51 = arith.constant 0 : index
    %get3A_52 = vector.load %arg8[%get3A_50, %get3A_51] : memref<64x1024xf32, #tpu.memory_space<vmem>>, vector<64x1024xf32>
    %mul3A_53 = arith.mulf %get3A_52, %get3A_52 : vector<64x1024xf32>
    %reduce_sum3A = arith.constant dense<0.000000e+00> : vector<1024xf32>
    %reduce_sum3A_54 = vector.multi_reduction <add>, %mul3A_53, %reduce_sum3A [0] : vector<64x1024xf32> to vector<1024xf32>
    %broadcast_in_dim3A = vector.shape_cast %reduce_sum3A_54 : vector<1024xf32> to vector<1x1024xf32>
    %mul3A_55 = arith.constant -2.000000e+00 : f32
    %mul3A_56 = vector.broadcast %mul3A_55 : f32 to vector<64x1024xf32>
    %mul3A_57 = arith.mulf %get3A_52, %mul3A_56 : vector<64x1024xf32>
    %iota3A = tpu.iota {dimensions = array<i32: 1>} : vector<512x32xi32>
    %broadcast_in_dim3A_58 = arith.constant 0 : i32
    %broadcast_in_dim3A_59 = vector.broadcast %broadcast_in_dim3A_58 : i32 to vector<512x32xi32>
    %slice3A = vector.extract_strided_slice %add3A_49 {offsets = [0, 0], sizes = [512, 64], strides = [1, 1]} : vector<512x2048xf32> to vector<512x64xf32>
    %mul3A_60 = arith.mulf %slice3A, %slice3A : vector<512x64xf32>
    %reduce_sum3A_61 = arith.constant dense<0.000000e+00> : vector<512xf32>
    %reduce_sum3A_62 = vector.multi_reduction <add>, %mul3A_60, %reduce_sum3A_61 [1] : vector<512x64xf32> to vector<512xf32>
    %broadcast_in_dim3A_63 = vector.shape_cast %reduce_sum3A_62 : vector<512xf32> to vector<512x1xf32>
    %dot_general3A_64 = arith.constant dense<0.000000e+00> : vector<512x1024xf32>
    %dot_general3A_65 = tpu.matmul %slice3A, %mul3A_57, %dot_general3A_64 {dimension_numbers = #tpu.dot_dimension_numbers<[1], [0], [0], [1], [0, 0, 1, 1], [], []>, transpose_lhs_hint = false} : vector<512x64xf32>, vector<64x1024xf32>, vector<512x1024xf32> -> vector<512x1024xf32>
    %add3A_66 = vector.broadcast %broadcast_in_dim3A_63 : vector<512x1xf32> to vector<512x1024xf32>
    %add3A_67 = arith.addf %add3A_66, %dot_general3A_65 : vector<512x1024xf32>
    %add3A_68 = vector.broadcast %broadcast_in_dim3A : vector<1x1024xf32> to vector<512x1024xf32>
    %add3A_69 = arith.addf %add3A_67, %add3A_68 : vector<512x1024xf32>
    %argmin3A = tpu.reduce_index %add3A_69 {axis = 1 : i32, kind = #tpu.reduction_kind<arg_min>} : vector<512x1024xf32> -> vector<512xi32>
    %eq3A = arith.constant 0 : i32
    %eq3A_70 = vector.broadcast %eq3A : i32 to vector<512x32xi32>
    %eq3A_71 = arith.cmpi eq, %iota3A, %eq3A_70 : vector<512x32xi32>
    %broadcast_in_dim3A_72 = vector.shape_cast %argmin3A : vector<512xi32> to vector<512x1xi32>
    %broadcast_in_dim3A_73 = vector.shape_cast %broadcast_in_dim3A_72 : vector<512x1xi32> to vector<512x1xi32>
    %broadcast_in_dim3A_74 = vector.broadcast %broadcast_in_dim3A_73 : vector<512x1xi32> to vector<512x32xi32>
    %select_n3A = arith.select %eq3A_71, %broadcast_in_dim3A_74, %broadcast_in_dim3A_59 : vector<512x32xi1>, vector<512x32xi32>
    %reduce_min3A = arith.constant dense<0x7F800000> : vector<512xf32>
    %reduce_min3A_75 = vector.multi_reduction <minimumf>, %add3A_69, %reduce_min3A [1] : vector<512x1024xf32> to vector<512xf32>
    %reduce_sum3A_76 = vector.shape_cast %reduce_min3A_75 : vector<512xf32> to vector<1x512xf32>
    %reduce_sum3A_77 = arith.constant dense<0.000000e+00> : vector<1xf32>
    %reduce_sum3A_78 = vector.multi_reduction <add>, %reduce_sum3A_76, %reduce_sum3A_77 [1] : vector<1x512xf32> to vector<1xf32>
    %reduce_sum3A_79 = vector.shape_cast %reduce_sum3A_78 : vector<1xf32> to vector<1x1xf32>
    %reduce_sum3A_80 = vector.extract %reduce_sum3A_79[0, 0] : f32 from vector<1x1xf32>
    %add3A_81 = arith.constant 0.000000e+00 : f32
    %add3A_82 = arith.addf %add3A_81, %reduce_sum3A_80 : f32
    %slice3A_83 = vector.extract_strided_slice %add3A_49 {offsets = [0, 64], sizes = [512, 64], strides = [1, 1]} : vector<512x2048xf32> to vector<512x64xf32>
    %mul3A_84 = arith.mulf %slice3A_83, %slice3A_83 : vector<512x64xf32>
    %reduce_sum3A_85 = arith.constant dense<0.000000e+00> : vector<512xf32>
    %reduce_sum3A_86 = vector.multi_reduction <add>, %mul3A_84, %reduce_sum3A_85 [1] : vector<512x64xf32> to vector<512xf32>
    %broadcast_in_dim3A_87 = vector.shape_cast %reduce_sum3A_86 : vector<512xf32> to vector<512x1xf32>
    %dot_general3A_88 = arith.constant dense<0.000000e+00> : vector<512x1024xf32>
    %dot_general3A_89 = tpu.matmul %slice3A_83, %mul3A_57, %dot_general3A_88 {dimension_numbers = #tpu.dot_dimension_numbers<[1], [0], [0], [1], [0, 0, 1, 1], [], []>, transpose_lhs_hint = false} : vector<512x64xf32>, vector<64x1024xf32>, vector<512x1024xf32> -> vector<512x1024xf32>
    %add3A_90 = vector.broadcast %broadcast_in_dim3A_87 : vector<512x1xf32> to vector<512x1024xf32>
    %add3A_91 = arith.addf %add3A_90, %dot_general3A_89 : vector<512x1024xf32>
    %add3A_92 = vector.broadcast %broadcast_in_dim3A : vector<1x1024xf32> to vector<512x1024xf32>
    %add3A_93 = arith.addf %add3A_91, %add3A_92 : vector<512x1024xf32>
    %argmin3A_94 = tpu.reduce_index %add3A_93 {axis = 1 : i32, kind = #tpu.reduction_kind<arg_min>} : vector<512x1024xf32> -> vector<512xi32>
    %eq3A_95 = arith.constant 1 : i32
    %eq3A_96 = vector.broadcast %eq3A_95 : i32 to vector<512x32xi32>
    %eq3A_97 = arith.cmpi eq, %iota3A, %eq3A_96 : vector<512x32xi32>
    %broadcast_in_dim3A_98 = vector.shape_cast %argmin3A_94 : vector<512xi32> to vector<512x1xi32>
    %broadcast_in_dim3A_99 = vector.shape_cast %broadcast_in_dim3A_98 : vector<512x1xi32> to vector<512x1xi32>
    %broadcast_in_dim3A_100 = vector.broadcast %broadcast_in_dim3A_99 : vector<512x1xi32> to vector<512x32xi32>
    %select_n3A_101 = arith.select %eq3A_97, %broadcast_in_dim3A_100, %select_n3A : vector<512x32xi1>, vector<512x32xi32>
    %reduce_min3A_102 = arith.constant dense<0x7F800000> : vector<512xf32>
    %reduce_min3A_103 = vector.multi_reduction <minimumf>, %add3A_93, %reduce_min3A_102 [1] : vector<512x1024xf32> to vector<512xf32>
    %reduce_sum3A_104 = vector.shape_cast %reduce_min3A_103 : vector<512xf32> to vector<1x512xf32>
    %reduce_sum3A_105 = arith.constant dense<0.000000e+00> : vector<1xf32>
    %reduce_sum3A_106 = vector.multi_reduction <add>, %reduce_sum3A_104, %reduce_sum3A_105 [1] : vector<1x512xf32> to vector<1xf32>
    %reduce_sum3A_107 = vector.shape_cast %reduce_sum3A_106 : vector<1xf32> to vector<1x1xf32>
    %reduce_sum3A_108 = vector.extract %reduce_sum3A_107[0, 0] : f32 from vector<1x1xf32>
    %add3A_109 = arith.addf %add3A_82, %reduce_sum3A_108 : f32
    %slice3A_110 = vector.extract_strided_slice %add3A_49 {offsets = [0, 128], sizes = [512, 64], strides = [1, 1]} : vector<512x2048xf32> to vector<512x64xf32>
    %mul3A_111 = arith.mulf %slice3A_110, %slice3A_110 : vector<512x64xf32>
    %reduce_sum3A_112 = arith.constant dense<0.000000e+00> : vector<512xf32>
    %reduce_sum3A_113 = vector.multi_reduction <add>, %mul3A_111, %reduce_sum3A_112 [1] : vector<512x64xf32> to vector<512xf32>
    %broadcast_in_dim3A_114 = vector.shape_cast %reduce_sum3A_113 : vector<512xf32> to vector<512x1xf32>
    %dot_general3A_115 = arith.constant dense<0.000000e+00> : vector<512x1024xf32>
    %dot_general3A_116 = tpu.matmul %slice3A_110, %mul3A_57, %dot_general3A_115 {dimension_numbers = #tpu.dot_dimension_numbers<[1], [0], [0], [1], [0, 0, 1, 1], [], []>, transpose_lhs_hint = false} : vector<512x64xf32>, vector<64x1024xf32>, vector<512x1024xf32> -> vector<512x1024xf32>
    %add3A_117 = vector.broadcast %broadcast_in_dim3A_114 : vector<512x1xf32> to vector<512x1024xf32>
    %add3A_118 = arith.addf %add3A_117, %dot_general3A_116 : vector<512x1024xf32>
    %add3A_119 = vector.broadcast %broadcast_in_dim3A : vector<1x1024xf32> to vector<512x1024xf32>
    %add3A_120 = arith.addf %add3A_118, %add3A_119 : vector<512x1024xf32>
    %argmin3A_121 = tpu.reduce_index %add3A_120 {axis = 1 : i32, kind = #tpu.reduction_kind<arg_min>} : vector<512x1024xf32> -> vector<512xi32>
    %eq3A_122 = arith.constant 2 : i32
    %eq3A_123 = vector.broadcast %eq3A_122 : i32 to vector<512x32xi32>
    %eq3A_124 = arith.cmpi eq, %iota3A, %eq3A_123 : vector<512x32xi32>
    %broadcast_in_dim3A_125 = vector.shape_cast %argmin3A_121 : vector<512xi32> to vector<512x1xi32>
    %broadcast_in_dim3A_126 = vector.shape_cast %broadcast_in_dim3A_125 : vector<512x1xi32> to vector<512x1xi32>
    %broadcast_in_dim3A_127 = vector.broadcast %broadcast_in_dim3A_126 : vector<512x1xi32> to vector<512x32xi32>
    %select_n3A_128 = arith.select %eq3A_124, %broadcast_in_dim3A_127, %select_n3A_101 : vector<512x32xi1>, vector<512x32xi32>
    %reduce_min3A_129 = arith.constant dense<0x7F800000> : vector<512xf32>
    %reduce_min3A_130 = vector.multi_reduction <minimumf>, %add3A_120, %reduce_min3A_129 [1] : vector<512x1024xf32> to vector<512xf32>
    %reduce_sum3A_131 = vector.shape_cast %reduce_min3A_130 : vector<512xf32> to vector<1x512xf32>
    %reduce_sum3A_132 = arith.constant dense<0.000000e+00> : vector<1xf32>
    %reduce_sum3A_133 = vector.multi_reduction <add>, %reduce_sum3A_131, %reduce_sum3A_132 [1] : vector<1x512xf32> to vector<1xf32>
    %reduce_sum3A_134 = vector.shape_cast %reduce_sum3A_133 : vector<1xf32> to vector<1x1xf32>
    %reduce_sum3A_135 = vector.extract %reduce_sum3A_134[0, 0] : f32 from vector<1x1xf32>
    %add3A_136 = arith.addf %add3A_109, %reduce_sum3A_135 : f32
    %slice3A_137 = vector.extract_strided_slice %add3A_49 {offsets = [0, 192], sizes = [512, 64], strides = [1, 1]} : vector<512x2048xf32> to vector<512x64xf32>
    %mul3A_138 = arith.mulf %slice3A_137, %slice3A_137 : vector<512x64xf32>
    %reduce_sum3A_139 = arith.constant dense<0.000000e+00> : vector<512xf32>
    %reduce_sum3A_140 = vector.multi_reduction <add>, %mul3A_138, %reduce_sum3A_139 [1] : vector<512x64xf32> to vector<512xf32>
    %broadcast_in_dim3A_141 = vector.shape_cast %reduce_sum3A_140 : vector<512xf32> to vector<512x1xf32>
    %dot_general3A_142 = arith.constant dense<0.000000e+00> : vector<512x1024xf32>
    %dot_general3A_143 = tpu.matmul %slice3A_137, %mul3A_57, %dot_general3A_142 {dimension_numbers = #tpu.dot_dimension_numbers<[1], [0], [0], [1], [0, 0, 1, 1], [], []>, transpose_lhs_hint = false} : vector<512x64xf32>, vector<64x1024xf32>, vector<512x1024xf32> -> vector<512x1024xf32>
    %add3A_144 = vector.broadcast %broadcast_in_dim3A_141 : vector<512x1xf32> to vector<512x1024xf32>
    %add3A_145 = arith.addf %add3A_144, %dot_general3A_143 : vector<512x1024xf32>
    %add3A_146 = vector.broadcast %broadcast_in_dim3A : vector<1x1024xf32> to vector<512x1024xf32>
    %add3A_147 = arith.addf %add3A_145, %add3A_146 : vector<512x1024xf32>
    %argmin3A_148 = tpu.reduce_index %add3A_147 {axis = 1 : i32, kind = #tpu.reduction_kind<arg_min>} : vector<512x1024xf32> -> vector<512xi32>
    %eq3A_149 = arith.constant 3 : i32
    %eq3A_150 = vector.broadcast %eq3A_149 : i32 to vector<512x32xi32>
    %eq3A_151 = arith.cmpi eq, %iota3A, %eq3A_150 : vector<512x32xi32>
    %broadcast_in_dim3A_152 = vector.shape_cast %argmin3A_148 : vector<512xi32> to vector<512x1xi32>
    %broadcast_in_dim3A_153 = vector.shape_cast %broadcast_in_dim3A_152 : vector<512x1xi32> to vector<512x1xi32>
    %broadcast_in_dim3A_154 = vector.broadcast %broadcast_in_dim3A_153 : vector<512x1xi32> to vector<512x32xi32>
    %select_n3A_155 = arith.select %eq3A_151, %broadcast_in_dim3A_154, %select_n3A_128 : vector<512x32xi1>, vector<512x32xi32>
    %reduce_min3A_156 = arith.constant dense<0x7F800000> : vector<512xf32>
    %reduce_min3A_157 = vector.multi_reduction <minimumf>, %add3A_147, %reduce_min3A_156 [1] : vector<512x1024xf32> to vector<512xf32>
    %reduce_sum3A_158 = vector.shape_cast %reduce_min3A_157 : vector<512xf32> to vector<1x512xf32>
    %reduce_sum3A_159 = arith.constant dense<0.000000e+00> : vector<1xf32>
    %reduce_sum3A_160 = vector.multi_reduction <add>, %reduce_sum3A_158, %reduce_sum3A_159 [1] : vector<1x512xf32> to vector<1xf32>
    %reduce_sum3A_161 = vector.shape_cast %reduce_sum3A_160 : vector<1xf32> to vector<1x1xf32>
    %reduce_sum3A_162 = vector.extract %reduce_sum3A_161[0, 0] : f32 from vector<1x1xf32>
    %add3A_163 = arith.addf %add3A_136, %reduce_sum3A_162 : f32
    %slice3A_164 = vector.extract_strided_slice %add3A_49 {offsets = [0, 256], sizes = [512, 64], strides = [1, 1]} : vector<512x2048xf32> to vector<512x64xf32>
    %mul3A_165 = arith.mulf %slice3A_164, %slice3A_164 : vector<512x64xf32>
    %reduce_sum3A_166 = arith.constant dense<0.000000e+00> : vector<512xf32>
    %reduce_sum3A_167 = vector.multi_reduction <add>, %mul3A_165, %reduce_sum3A_166 [1] : vector<512x64xf32> to vector<512xf32>
    %broadcast_in_dim3A_168 = vector.shape_cast %reduce_sum3A_167 : vector<512xf32> to vector<512x1xf32>
    %dot_general3A_169 = arith.constant dense<0.000000e+00> : vector<512x1024xf32>
    %dot_general3A_170 = tpu.matmul %slice3A_164, %mul3A_57, %dot_general3A_169 {dimension_numbers = #tpu.dot_dimension_numbers<[1], [0], [0], [1], [0, 0, 1, 1], [], []>, transpose_lhs_hint = false} : vector<512x64xf32>, vector<64x1024xf32>, vector<512x1024xf32> -> vector<512x1024xf32>
    %add3A_171 = vector.broadcast %broadcast_in_dim3A_168 : vector<512x1xf32> to vector<512x1024xf32>
    %add3A_172 = arith.addf %add3A_171, %dot_general3A_170 : vector<512x1024xf32>
    %add3A_173 = vector.broadcast %broadcast_in_dim3A : vector<1x1024xf32> to vector<512x1024xf32>
    %add3A_174 = arith.addf %add3A_172, %add3A_173 : vector<512x1024xf32>
    %argmin3A_175 = tpu.reduce_index %add3A_174 {axis = 1 : i32, kind = #tpu.reduction_kind<arg_min>} : vector<512x1024xf32> -> vector<512xi32>
    %eq3A_176 = arith.constant 4 : i32
    %eq3A_177 = vector.broadcast %eq3A_176 : i32 to vector<512x32xi32>
    %eq3A_178 = arith.cmpi eq, %iota3A, %eq3A_177 : vector<512x32xi32>
    %broadcast_in_dim3A_179 = vector.shape_cast %argmin3A_175 : vector<512xi32> to vector<512x1xi32>
    %broadcast_in_dim3A_180 = vector.shape_cast %broadcast_in_dim3A_179 : vector<512x1xi32> to vector<512x1xi32>
    %broadcast_in_dim3A_181 = vector.broadcast %broadcast_in_dim3A_180 : vector<512x1xi32> to vector<512x32xi32>
    %select_n3A_182 = arith.select %eq3A_178, %broadcast_in_dim3A_181, %select_n3A_155 : vector<512x32xi1>, vector<512x32xi32>
    %reduce_min3A_183 = arith.constant dense<0x7F800000> : vector<512xf32>
    %reduce_min3A_184 = vector.multi_reduction <minimumf>, %add3A_174, %reduce_min3A_183 [1] : vector<512x1024xf32> to vector<512xf32>
    %reduce_sum3A_185 = vector.shape_cast %reduce_min3A_184 : vector<512xf32> to vector<1x512xf32>
    %reduce_sum3A_186 = arith.constant dense<0.000000e+00> : vector<1xf32>
    %reduce_sum3A_187 = vector.multi_reduction <add>, %reduce_sum3A_185, %reduce_sum3A_186 [1] : vector<1x512xf32> to vector<1xf32>
    %reduce_sum3A_188 = vector.shape_cast %reduce_sum3A_187 : vector<1xf32> to vector<1x1xf32>
    %reduce_sum3A_189 = vector.extract %reduce_sum3A_188[0, 0] : f32 from vector<1x1xf32>
    %add3A_190 = arith.addf %add3A_163, %reduce_sum3A_189 : f32
    %slice3A_191 = vector.extract_strided_slice %add3A_49 {offsets = [0, 320], sizes = [512, 64], strides = [1, 1]} : vector<512x2048xf32> to vector<512x64xf32>
    %mul3A_192 = arith.mulf %slice3A_191, %slice3A_191 : vector<512x64xf32>
    %reduce_sum3A_193 = arith.constant dense<0.000000e+00> : vector<512xf32>
    %reduce_sum3A_194 = vector.multi_reduction <add>, %mul3A_192, %reduce_sum3A_193 [1] : vector<512x64xf32> to vector<512xf32>
    %broadcast_in_dim3A_195 = vector.shape_cast %reduce_sum3A_194 : vector<512xf32> to vector<512x1xf32>
    %dot_general3A_196 = arith.constant dense<0.000000e+00> : vector<512x1024xf32>
    %dot_general3A_197 = tpu.matmul %slice3A_191, %mul3A_57, %dot_general3A_196 {dimension_numbers = #tpu.dot_dimension_numbers<[1], [0], [0], [1], [0, 0, 1, 1], [], []>, transpose_lhs_hint = false} : vector<512x64xf32>, vector<64x1024xf32>, vector<512x1024xf32> -> vector<512x1024xf32>
    %add3A_198 = vector.broadcast %broadcast_in_dim3A_195 : vector<512x1xf32> to vector<512x1024xf32>
    %add3A_199 = arith.addf %add3A_198, %dot_general3A_197 : vector<512x1024xf32>
    %add3A_200 = vector.broadcast %broadcast_in_dim3A : vector<1x1024xf32> to vector<512x1024xf32>
    %add3A_201 = arith.addf %add3A_199, %add3A_200 : vector<512x1024xf32>
    %argmin3A_202 = tpu.reduce_index %add3A_201 {axis = 1 : i32, kind = #tpu.reduction_kind<arg_min>} : vector<512x1024xf32> -> vector<512xi32>
    %eq3A_203 = arith.constant 5 : i32
    %eq3A_204 = vector.broadcast %eq3A_203 : i32 to vector<512x32xi32>
    %eq3A_205 = arith.cmpi eq, %iota3A, %eq3A_204 : vector<512x32xi32>
    %broadcast_in_dim3A_206 = vector.shape_cast %argmin3A_202 : vector<512xi32> to vector<512x1xi32>
    %broadcast_in_dim3A_207 = vector.shape_cast %broadcast_in_dim3A_206 : vector<512x1xi32> to vector<512x1xi32>
    %broadcast_in_dim3A_208 = vector.broadcast %broadcast_in_dim3A_207 : vector<512x1xi32> to vector<512x32xi32>
    %select_n3A_209 = arith.select %eq3A_205, %broadcast_in_dim3A_208, %select_n3A_182 : vector<512x32xi1>, vector<512x32xi32>
    %reduce_min3A_210 = arith.constant dense<0x7F800000> : vector<512xf32>
    %reduce_min3A_211 = vector.multi_reduction <minimumf>, %add3A_201, %reduce_min3A_210 [1] : vector<512x1024xf32> to vector<512xf32>
    %reduce_sum3A_212 = vector.shape_cast %reduce_min3A_211 : vector<512xf32> to vector<1x512xf32>
    %reduce_sum3A_213 = arith.constant dense<0.000000e+00> : vector<1xf32>
    %reduce_sum3A_214 = vector.multi_reduction <add>, %reduce_sum3A_212, %reduce_sum3A_213 [1] : vector<1x512xf32> to vector<1xf32>
    %reduce_sum3A_215 = vector.shape_cast %reduce_sum3A_214 : vector<1xf32> to vector<1x1xf32>
    %reduce_sum3A_216 = vector.extract %reduce_sum3A_215[0, 0] : f32 from vector<1x1xf32>
    %add3A_217 = arith.addf %add3A_190, %reduce_sum3A_216 : f32
    %slice3A_218 = vector.extract_strided_slice %add3A_49 {offsets = [0, 384], sizes = [512, 64], strides = [1, 1]} : vector<512x2048xf32> to vector<512x64xf32>
    %mul3A_219 = arith.mulf %slice3A_218, %slice3A_218 : vector<512x64xf32>
    %reduce_sum3A_220 = arith.constant dense<0.000000e+00> : vector<512xf32>
    %reduce_sum3A_221 = vector.multi_reduction <add>, %mul3A_219, %reduce_sum3A_220 [1] : vector<512x64xf32> to vector<512xf32>
    %broadcast_in_dim3A_222 = vector.shape_cast %reduce_sum3A_221 : vector<512xf32> to vector<512x1xf32>
    %dot_general3A_223 = arith.constant dense<0.000000e+00> : vector<512x1024xf32>
    %dot_general3A_224 = tpu.matmul %slice3A_218, %mul3A_57, %dot_general3A_223 {dimension_numbers = #tpu.dot_dimension_numbers<[1], [0], [0], [1], [0, 0, 1, 1], [], []>, transpose_lhs_hint = false} : vector<512x64xf32>, vector<64x1024xf32>, vector<512x1024xf32> -> vector<512x1024xf32>
    %add3A_225 = vector.broadcast %broadcast_in_dim3A_222 : vector<512x1xf32> to vector<512x1024xf32>
    %add3A_226 = arith.addf %add3A_225, %dot_general3A_224 : vector<512x1024xf32>
    %add3A_227 = vector.broadcast %broadcast_in_dim3A : vector<1x1024xf32> to vector<512x1024xf32>
    %add3A_228 = arith.addf %add3A_226, %add3A_227 : vector<512x1024xf32>
    %argmin3A_229 = tpu.reduce_index %add3A_228 {axis = 1 : i32, kind = #tpu.reduction_kind<arg_min>} : vector<512x1024xf32> -> vector<512xi32>
    %eq3A_230 = arith.constant 6 : i32
    %eq3A_231 = vector.broadcast %eq3A_230 : i32 to vector<512x32xi32>
    %eq3A_232 = arith.cmpi eq, %iota3A, %eq3A_231 : vector<512x32xi32>
    %broadcast_in_dim3A_233 = vector.shape_cast %argmin3A_229 : vector<512xi32> to vector<512x1xi32>
    %broadcast_in_dim3A_234 = vector.shape_cast %broadcast_in_dim3A_233 : vector<512x1xi32> to vector<512x1xi32>
    %broadcast_in_dim3A_235 = vector.broadcast %broadcast_in_dim3A_234 : vector<512x1xi32> to vector<512x32xi32>
    %select_n3A_236 = arith.select %eq3A_232, %broadcast_in_dim3A_235, %select_n3A_209 : vector<512x32xi1>, vector<512x32xi32>
    %reduce_min3A_237 = arith.constant dense<0x7F800000> : vector<512xf32>
    %reduce_min3A_238 = vector.multi_reduction <minimumf>, %add3A_228, %reduce_min3A_237 [1] : vector<512x1024xf32> to vector<512xf32>
    %reduce_sum3A_239 = vector.shape_cast %reduce_min3A_238 : vector<512xf32> to vector<1x512xf32>
    %reduce_sum3A_240 = arith.constant dense<0.000000e+00> : vector<1xf32>
    %reduce_sum3A_241 = vector.multi_reduction <add>, %reduce_sum3A_239, %reduce_sum3A_240 [1] : vector<1x512xf32> to vector<1xf32>
    %reduce_sum3A_242 = vector.shape_cast %reduce_sum3A_241 : vector<1xf32> to vector<1x1xf32>
    %reduce_sum3A_243 = vector.extract %reduce_sum3A_242[0, 0] : f32 from vector<1x1xf32>
    %add3A_244 = arith.addf %add3A_217, %reduce_sum3A_243 : f32
    %slice3A_245 = vector.extract_strided_slice %add3A_49 {offsets = [0, 448], sizes = [512, 64], strides = [1, 1]} : vector<512x2048xf32> to vector<512x64xf32>
    %mul3A_246 = arith.mulf %slice3A_245, %slice3A_245 : vector<512x64xf32>
    %reduce_sum3A_247 = arith.constant dense<0.000000e+00> : vector<512xf32>
    %reduce_sum3A_248 = vector.multi_reduction <add>, %mul3A_246, %reduce_sum3A_247 [1] : vector<512x64xf32> to vector<512xf32>
    %broadcast_in_dim3A_249 = vector.shape_cast %reduce_sum3A_248 : vector<512xf32> to vector<512x1xf32>
    %dot_general3A_250 = arith.constant dense<0.000000e+00> : vector<512x1024xf32>
    %dot_general3A_251 = tpu.matmul %slice3A_245, %mul3A_57, %dot_general3A_250 {dimension_numbers = #tpu.dot_dimension_numbers<[1], [0], [0], [1], [0, 0, 1, 1], [], []>, transpose_lhs_hint = false} : vector<512x64xf32>, vector<64x1024xf32>, vector<512x1024xf32> -> vector<512x1024xf32>
    %add3A_252 = vector.broadcast %broadcast_in_dim3A_249 : vector<512x1xf32> to vector<512x1024xf32>
    %add3A_253 = arith.addf %add3A_252, %dot_general3A_251 : vector<512x1024xf32>
    %add3A_254 = vector.broadcast %broadcast_in_dim3A : vector<1x1024xf32> to vector<512x1024xf32>
    %add3A_255 = arith.addf %add3A_253, %add3A_254 : vector<512x1024xf32>
    %argmin3A_256 = tpu.reduce_index %add3A_255 {axis = 1 : i32, kind = #tpu.reduction_kind<arg_min>} : vector<512x1024xf32> -> vector<512xi32>
    %eq3A_257 = arith.constant 7 : i32
    %eq3A_258 = vector.broadcast %eq3A_257 : i32 to vector<512x32xi32>
    %eq3A_259 = arith.cmpi eq, %iota3A, %eq3A_258 : vector<512x32xi32>
    %broadcast_in_dim3A_260 = vector.shape_cast %argmin3A_256 : vector<512xi32> to vector<512x1xi32>
    %broadcast_in_dim3A_261 = vector.shape_cast %broadcast_in_dim3A_260 : vector<512x1xi32> to vector<512x1xi32>
    %broadcast_in_dim3A_262 = vector.broadcast %broadcast_in_dim3A_261 : vector<512x1xi32> to vector<512x32xi32>
    %select_n3A_263 = arith.select %eq3A_259, %broadcast_in_dim3A_262, %select_n3A_236 : vector<512x32xi1>, vector<512x32xi32>
    %reduce_min3A_264 = arith.constant dense<0x7F800000> : vector<512xf32>
    %reduce_min3A_265 = vector.multi_reduction <minimumf>, %add3A_255, %reduce_min3A_264 [1] : vector<512x1024xf32> to vector<512xf32>
    %reduce_sum3A_266 = vector.shape_cast %reduce_min3A_265 : vector<512xf32> to vector<1x512xf32>
    %reduce_sum3A_267 = arith.constant dense<0.000000e+00> : vector<1xf32>
    %reduce_sum3A_268 = vector.multi_reduction <add>, %reduce_sum3A_266, %reduce_sum3A_267 [1] : vector<1x512xf32> to vector<1xf32>
    %reduce_sum3A_269 = vector.shape_cast %reduce_sum3A_268 : vector<1xf32> to vector<1x1xf32>
    %reduce_sum3A_270 = vector.extract %reduce_sum3A_269[0, 0] : f32 from vector<1x1xf32>
    %add3A_271 = arith.addf %add3A_244, %reduce_sum3A_270 : f32
    %slice3A_272 = vector.extract_strided_slice %add3A_49 {offsets = [0, 512], sizes = [512, 64], strides = [1, 1]} : vector<512x2048xf32> to vector<512x64xf32>
    %mul3A_273 = arith.mulf %slice3A_272, %slice3A_272 : vector<512x64xf32>
    %reduce_sum3A_274 = arith.constant dense<0.000000e+00> : vector<512xf32>
    %reduce_sum3A_275 = vector.multi_reduction <add>, %mul3A_273, %reduce_sum3A_274 [1] : vector<512x64xf32> to vector<512xf32>
    %broadcast_in_dim3A_276 = vector.shape_cast %reduce_sum3A_275 : vector<512xf32> to vector<512x1xf32>
    %dot_general3A_277 = arith.constant dense<0.000000e+00> : vector<512x1024xf32>
    %dot_general3A_278 = tpu.matmul %slice3A_272, %mul3A_57, %dot_general3A_277 {dimension_numbers = #tpu.dot_dimension_numbers<[1], [0], [0], [1], [0, 0, 1, 1], [], []>, transpose_lhs_hint = false} : vector<512x64xf32>, vector<64x1024xf32>, vector<512x1024xf32> -> vector<512x1024xf32>
    %add3A_279 = vector.broadcast %broadcast_in_dim3A_276 : vector<512x1xf32> to vector<512x1024xf32>
    %add3A_280 = arith.addf %add3A_279, %dot_general3A_278 : vector<512x1024xf32>
    %add3A_281 = vector.broadcast %broadcast_in_dim3A : vector<1x1024xf32> to vector<512x1024xf32>
    %add3A_282 = arith.addf %add3A_280, %add3A_281 : vector<512x1024xf32>
    %argmin3A_283 = tpu.reduce_index %add3A_282 {axis = 1 : i32, kind = #tpu.reduction_kind<arg_min>} : vector<512x1024xf32> -> vector<512xi32>
    %eq3A_284 = arith.constant 8 : i32
    %eq3A_285 = vector.broadcast %eq3A_284 : i32 to vector<512x32xi32>
    %eq3A_286 = arith.cmpi eq, %iota3A, %eq3A_285 : vector<512x32xi32>
    %broadcast_in_dim3A_287 = vector.shape_cast %argmin3A_283 : vector<512xi32> to vector<512x1xi32>
    %broadcast_in_dim3A_288 = vector.shape_cast %broadcast_in_dim3A_287 : vector<512x1xi32> to vector<512x1xi32>
    %broadcast_in_dim3A_289 = vector.broadcast %broadcast_in_dim3A_288 : vector<512x1xi32> to vector<512x32xi32>
    %select_n3A_290 = arith.select %eq3A_286, %broadcast_in_dim3A_289, %select_n3A_263 : vector<512x32xi1>, vector<512x32xi32>
    %reduce_min3A_291 = arith.constant dense<0x7F800000> : vector<512xf32>
    %reduce_min3A_292 = vector.multi_reduction <minimumf>, %add3A_282, %reduce_min3A_291 [1] : vector<512x1024xf32> to vector<512xf32>
    %reduce_sum3A_293 = vector.shape_cast %reduce_min3A_292 : vector<512xf32> to vector<1x512xf32>
    %reduce_sum3A_294 = arith.constant dense<0.000000e+00> : vector<1xf32>
    %reduce_sum3A_295 = vector.multi_reduction <add>, %reduce_sum3A_293, %reduce_sum3A_294 [1] : vector<1x512xf32> to vector<1xf32>
    %reduce_sum3A_296 = vector.shape_cast %reduce_sum3A_295 : vector<1xf32> to vector<1x1xf32>
    %reduce_sum3A_297 = vector.extract %reduce_sum3A_296[0, 0] : f32 from vector<1x1xf32>
    %add3A_298 = arith.addf %add3A_271, %reduce_sum3A_297 : f32
    %slice3A_299 = vector.extract_strided_slice %add3A_49 {offsets = [0, 576], sizes = [512, 64], strides = [1, 1]} : vector<512x2048xf32> to vector<512x64xf32>
    %mul3A_300 = arith.mulf %slice3A_299, %slice3A_299 : vector<512x64xf32>
    %reduce_sum3A_301 = arith.constant dense<0.000000e+00> : vector<512xf32>
    %reduce_sum3A_302 = vector.multi_reduction <add>, %mul3A_300, %reduce_sum3A_301 [1] : vector<512x64xf32> to vector<512xf32>
    %broadcast_in_dim3A_303 = vector.shape_cast %reduce_sum3A_302 : vector<512xf32> to vector<512x1xf32>
    %dot_general3A_304 = arith.constant dense<0.000000e+00> : vector<512x1024xf32>
    %dot_general3A_305 = tpu.matmul %slice3A_299, %mul3A_57, %dot_general3A_304 {dimension_numbers = #tpu.dot_dimension_numbers<[1], [0], [0], [1], [0, 0, 1, 1], [], []>, transpose_lhs_hint = false} : vector<512x64xf32>, vector<64x1024xf32>, vector<512x1024xf32> -> vector<512x1024xf32>
    %add3A_306 = vector.broadcast %broadcast_in_dim3A_303 : vector<512x1xf32> to vector<512x1024xf32>
    %add3A_307 = arith.addf %add3A_306, %dot_general3A_305 : vector<512x1024xf32>
    %add3A_308 = vector.broadcast %broadcast_in_dim3A : vector<1x1024xf32> to vector<512x1024xf32>
    %add3A_309 = arith.addf %add3A_307, %add3A_308 : vector<512x1024xf32>
    %argmin3A_310 = tpu.reduce_index %add3A_309 {axis = 1 : i32, kind = #tpu.reduction_kind<arg_min>} : vector<512x1024xf32> -> vector<512xi32>
    %eq3A_311 = arith.constant 9 : i32
    %eq3A_312 = vector.broadcast %eq3A_311 : i32 to vector<512x32xi32>
    %eq3A_313 = arith.cmpi eq, %iota3A, %eq3A_312 : vector<512x32xi32>
    %broadcast_in_dim3A_314 = vector.shape_cast %argmin3A_310 : vector<512xi32> to vector<512x1xi32>
    %broadcast_in_dim3A_315 = vector.shape_cast %broadcast_in_dim3A_314 : vector<512x1xi32> to vector<512x1xi32>
    %broadcast_in_dim3A_316 = vector.broadcast %broadcast_in_dim3A_315 : vector<512x1xi32> to vector<512x32xi32>
    %select_n3A_317 = arith.select %eq3A_313, %broadcast_in_dim3A_316, %select_n3A_290 : vector<512x32xi1>, vector<512x32xi32>
    %reduce_min3A_318 = arith.constant dense<0x7F800000> : vector<512xf32>
    %reduce_min3A_319 = vector.multi_reduction <minimumf>, %add3A_309, %reduce_min3A_318 [1] : vector<512x1024xf32> to vector<512xf32>
    %reduce_sum3A_320 = vector.shape_cast %reduce_min3A_319 : vector<512xf32> to vector<1x512xf32>
    %reduce_sum3A_321 = arith.constant dense<0.000000e+00> : vector<1xf32>
    %reduce_sum3A_322 = vector.multi_reduction <add>, %reduce_sum3A_320, %reduce_sum3A_321 [1] : vector<1x512xf32> to vector<1xf32>
    %reduce_sum3A_323 = vector.shape_cast %reduce_sum3A_322 : vector<1xf32> to vector<1x1xf32>
    %reduce_sum3A_324 = vector.extract %reduce_sum3A_323[0, 0] : f32 from vector<1x1xf32>
    %add3A_325 = arith.addf %add3A_298, %reduce_sum3A_324 : f32
    %slice3A_326 = vector.extract_strided_slice %add3A_49 {offsets = [0, 640], sizes = [512, 64], strides = [1, 1]} : vector<512x2048xf32> to vector<512x64xf32>
    %mul3A_327 = arith.mulf %slice3A_326, %slice3A_326 : vector<512x64xf32>
    %reduce_sum3A_328 = arith.constant dense<0.000000e+00> : vector<512xf32>
    %reduce_sum3A_329 = vector.multi_reduction <add>, %mul3A_327, %reduce_sum3A_328 [1] : vector<512x64xf32> to vector<512xf32>
    %broadcast_in_dim3A_330 = vector.shape_cast %reduce_sum3A_329 : vector<512xf32> to vector<512x1xf32>
    %dot_general3A_331 = arith.constant dense<0.000000e+00> : vector<512x1024xf32>
    %dot_general3A_332 = tpu.matmul %slice3A_326, %mul3A_57, %dot_general3A_331 {dimension_numbers = #tpu.dot_dimension_numbers<[1], [0], [0], [1], [0, 0, 1, 1], [], []>, transpose_lhs_hint = false} : vector<512x64xf32>, vector<64x1024xf32>, vector<512x1024xf32> -> vector<512x1024xf32>
    %add3A_333 = vector.broadcast %broadcast_in_dim3A_330 : vector<512x1xf32> to vector<512x1024xf32>
    %add3A_334 = arith.addf %add3A_333, %dot_general3A_332 : vector<512x1024xf32>
    %add3A_335 = vector.broadcast %broadcast_in_dim3A : vector<1x1024xf32> to vector<512x1024xf32>
    %add3A_336 = arith.addf %add3A_334, %add3A_335 : vector<512x1024xf32>
    %argmin3A_337 = tpu.reduce_index %add3A_336 {axis = 1 : i32, kind = #tpu.reduction_kind<arg_min>} : vector<512x1024xf32> -> vector<512xi32>
    %eq3A_338 = arith.constant 10 : i32
    %eq3A_339 = vector.broadcast %eq3A_338 : i32 to vector<512x32xi32>
    %eq3A_340 = arith.cmpi eq, %iota3A, %eq3A_339 : vector<512x32xi32>
    %broadcast_in_dim3A_341 = vector.shape_cast %argmin3A_337 : vector<512xi32> to vector<512x1xi32>
    %broadcast_in_dim3A_342 = vector.shape_cast %broadcast_in_dim3A_341 : vector<512x1xi32> to vector<512x1xi32>
    %broadcast_in_dim3A_343 = vector.broadcast %broadcast_in_dim3A_342 : vector<512x1xi32> to vector<512x32xi32>
    %select_n3A_344 = arith.select %eq3A_340, %broadcast_in_dim3A_343, %select_n3A_317 : vector<512x32xi1>, vector<512x32xi32>
    %reduce_min3A_345 = arith.constant dense<0x7F800000> : vector<512xf32>
    %reduce_min3A_346 = vector.multi_reduction <minimumf>, %add3A_336, %reduce_min3A_345 [1] : vector<512x1024xf32> to vector<512xf32>
    %reduce_sum3A_347 = vector.shape_cast %reduce_min3A_346 : vector<512xf32> to vector<1x512xf32>
    %reduce_sum3A_348 = arith.constant dense<0.000000e+00> : vector<1xf32>
    %reduce_sum3A_349 = vector.multi_reduction <add>, %reduce_sum3A_347, %reduce_sum3A_348 [1] : vector<1x512xf32> to vector<1xf32>
    %reduce_sum3A_350 = vector.shape_cast %reduce_sum3A_349 : vector<1xf32> to vector<1x1xf32>
    %reduce_sum3A_351 = vector.extract %reduce_sum3A_350[0, 0] : f32 from vector<1x1xf32>
    %add3A_352 = arith.addf %add3A_325, %reduce_sum3A_351 : f32
    %slice3A_353 = vector.extract_strided_slice %add3A_49 {offsets = [0, 704], sizes = [512, 64], strides = [1, 1]} : vector<512x2048xf32> to vector<512x64xf32>
    %mul3A_354 = arith.mulf %slice3A_353, %slice3A_353 : vector<512x64xf32>
    %reduce_sum3A_355 = arith.constant dense<0.000000e+00> : vector<512xf32>
    %reduce_sum3A_356 = vector.multi_reduction <add>, %mul3A_354, %reduce_sum3A_355 [1] : vector<512x64xf32> to vector<512xf32>
    %broadcast_in_dim3A_357 = vector.shape_cast %reduce_sum3A_356 : vector<512xf32> to vector<512x1xf32>
    %dot_general3A_358 = arith.constant dense<0.000000e+00> : vector<512x1024xf32>
    %dot_general3A_359 = tpu.matmul %slice3A_353, %mul3A_57, %dot_general3A_358 {dimension_numbers = #tpu.dot_dimension_numbers<[1], [0], [0], [1], [0, 0, 1, 1], [], []>, transpose_lhs_hint = false} : vector<512x64xf32>, vector<64x1024xf32>, vector<512x1024xf32> -> vector<512x1024xf32>
    %add3A_360 = vector.broadcast %broadcast_in_dim3A_357 : vector<512x1xf32> to vector<512x1024xf32>
    %add3A_361 = arith.addf %add3A_360, %dot_general3A_359 : vector<512x1024xf32>
    %add3A_362 = vector.broadcast %broadcast_in_dim3A : vector<1x1024xf32> to vector<512x1024xf32>
    %add3A_363 = arith.addf %add3A_361, %add3A_362 : vector<512x1024xf32>
    %argmin3A_364 = tpu.reduce_index %add3A_363 {axis = 1 : i32, kind = #tpu.reduction_kind<arg_min>} : vector<512x1024xf32> -> vector<512xi32>
    %eq3A_365 = arith.constant 11 : i32
    %eq3A_366 = vector.broadcast %eq3A_365 : i32 to vector<512x32xi32>
    %eq3A_367 = arith.cmpi eq, %iota3A, %eq3A_366 : vector<512x32xi32>
    %broadcast_in_dim3A_368 = vector.shape_cast %argmin3A_364 : vector<512xi32> to vector<512x1xi32>
    %broadcast_in_dim3A_369 = vector.shape_cast %broadcast_in_dim3A_368 : vector<512x1xi32> to vector<512x1xi32>
    %broadcast_in_dim3A_370 = vector.broadcast %broadcast_in_dim3A_369 : vector<512x1xi32> to vector<512x32xi32>
    %select_n3A_371 = arith.select %eq3A_367, %broadcast_in_dim3A_370, %select_n3A_344 : vector<512x32xi1>, vector<512x32xi32>
    %reduce_min3A_372 = arith.constant dense<0x7F800000> : vector<512xf32>
    %reduce_min3A_373 = vector.multi_reduction <minimumf>, %add3A_363, %reduce_min3A_372 [1] : vector<512x1024xf32> to vector<512xf32>
    %reduce_sum3A_374 = vector.shape_cast %reduce_min3A_373 : vector<512xf32> to vector<1x512xf32>
    %reduce_sum3A_375 = arith.constant dense<0.000000e+00> : vector<1xf32>
    %reduce_sum3A_376 = vector.multi_reduction <add>, %reduce_sum3A_374, %reduce_sum3A_375 [1] : vector<1x512xf32> to vector<1xf32>
    %reduce_sum3A_377 = vector.shape_cast %reduce_sum3A_376 : vector<1xf32> to vector<1x1xf32>
    %reduce_sum3A_378 = vector.extract %reduce_sum3A_377[0, 0] : f32 from vector<1x1xf32>
    %add3A_379 = arith.addf %add3A_352, %reduce_sum3A_378 : f32
    %slice3A_380 = vector.extract_strided_slice %add3A_49 {offsets = [0, 768], sizes = [512, 64], strides = [1, 1]} : vector<512x2048xf32> to vector<512x64xf32>
    %mul3A_381 = arith.mulf %slice3A_380, %slice3A_380 : vector<512x64xf32>
    %reduce_sum3A_382 = arith.constant dense<0.000000e+00> : vector<512xf32>
    %reduce_sum3A_383 = vector.multi_reduction <add>, %mul3A_381, %reduce_sum3A_382 [1] : vector<512x64xf32> to vector<512xf32>
    %broadcast_in_dim3A_384 = vector.shape_cast %reduce_sum3A_383 : vector<512xf32> to vector<512x1xf32>
    %dot_general3A_385 = arith.constant dense<0.000000e+00> : vector<512x1024xf32>
    %dot_general3A_386 = tpu.matmul %slice3A_380, %mul3A_57, %dot_general3A_385 {dimension_numbers = #tpu.dot_dimension_numbers<[1], [0], [0], [1], [0, 0, 1, 1], [], []>, transpose_lhs_hint = false} : vector<512x64xf32>, vector<64x1024xf32>, vector<512x1024xf32> -> vector<512x1024xf32>
    %add3A_387 = vector.broadcast %broadcast_in_dim3A_384 : vector<512x1xf32> to vector<512x1024xf32>
    %add3A_388 = arith.addf %add3A_387, %dot_general3A_386 : vector<512x1024xf32>
    %add3A_389 = vector.broadcast %broadcast_in_dim3A : vector<1x1024xf32> to vector<512x1024xf32>
    %add3A_390 = arith.addf %add3A_388, %add3A_389 : vector<512x1024xf32>
    %argmin3A_391 = tpu.reduce_index %add3A_390 {axis = 1 : i32, kind = #tpu.reduction_kind<arg_min>} : vector<512x1024xf32> -> vector<512xi32>
    %eq3A_392 = arith.constant 12 : i32
    %eq3A_393 = vector.broadcast %eq3A_392 : i32 to vector<512x32xi32>
    %eq3A_394 = arith.cmpi eq, %iota3A, %eq3A_393 : vector<512x32xi32>
    %broadcast_in_dim3A_395 = vector.shape_cast %argmin3A_391 : vector<512xi32> to vector<512x1xi32>
    %broadcast_in_dim3A_396 = vector.shape_cast %broadcast_in_dim3A_395 : vector<512x1xi32> to vector<512x1xi32>
    %broadcast_in_dim3A_397 = vector.broadcast %broadcast_in_dim3A_396 : vector<512x1xi32> to vector<512x32xi32>
    %select_n3A_398 = arith.select %eq3A_394, %broadcast_in_dim3A_397, %select_n3A_371 : vector<512x32xi1>, vector<512x32xi32>
    %reduce_min3A_399 = arith.constant dense<0x7F800000> : vector<512xf32>
    %reduce_min3A_400 = vector.multi_reduction <minimumf>, %add3A_390, %reduce_min3A_399 [1] : vector<512x1024xf32> to vector<512xf32>
    %reduce_sum3A_401 = vector.shape_cast %reduce_min3A_400 : vector<512xf32> to vector<1x512xf32>
    %reduce_sum3A_402 = arith.constant dense<0.000000e+00> : vector<1xf32>
    %reduce_sum3A_403 = vector.multi_reduction <add>, %reduce_sum3A_401, %reduce_sum3A_402 [1] : vector<1x512xf32> to vector<1xf32>
    %reduce_sum3A_404 = vector.shape_cast %reduce_sum3A_403 : vector<1xf32> to vector<1x1xf32>
    %reduce_sum3A_405 = vector.extract %reduce_sum3A_404[0, 0] : f32 from vector<1x1xf32>
    %add3A_406 = arith.addf %add3A_379, %reduce_sum3A_405 : f32
    %slice3A_407 = vector.extract_strided_slice %add3A_49 {offsets = [0, 832], sizes = [512, 64], strides = [1, 1]} : vector<512x2048xf32> to vector<512x64xf32>
    %mul3A_408 = arith.mulf %slice3A_407, %slice3A_407 : vector<512x64xf32>
    %reduce_sum3A_409 = arith.constant dense<0.000000e+00> : vector<512xf32>
    %reduce_sum3A_410 = vector.multi_reduction <add>, %mul3A_408, %reduce_sum3A_409 [1] : vector<512x64xf32> to vector<512xf32>
    %broadcast_in_dim3A_411 = vector.shape_cast %reduce_sum3A_410 : vector<512xf32> to vector<512x1xf32>
    %dot_general3A_412 = arith.constant dense<0.000000e+00> : vector<512x1024xf32>
    %dot_general3A_413 = tpu.matmul %slice3A_407, %mul3A_57, %dot_general3A_412 {dimension_numbers = #tpu.dot_dimension_numbers<[1], [0], [0], [1], [0, 0, 1, 1], [], []>, transpose_lhs_hint = false} : vector<512x64xf32>, vector<64x1024xf32>, vector<512x1024xf32> -> vector<512x1024xf32>
    %add3A_414 = vector.broadcast %broadcast_in_dim3A_411 : vector<512x1xf32> to vector<512x1024xf32>
    %add3A_415 = arith.addf %add3A_414, %dot_general3A_413 : vector<512x1024xf32>
    %add3A_416 = vector.broadcast %broadcast_in_dim3A : vector<1x1024xf32> to vector<512x1024xf32>
    %add3A_417 = arith.addf %add3A_415, %add3A_416 : vector<512x1024xf32>
    %argmin3A_418 = tpu.reduce_index %add3A_417 {axis = 1 : i32, kind = #tpu.reduction_kind<arg_min>} : vector<512x1024xf32> -> vector<512xi32>
    %eq3A_419 = arith.constant 13 : i32
    %eq3A_420 = vector.broadcast %eq3A_419 : i32 to vector<512x32xi32>
    %eq3A_421 = arith.cmpi eq, %iota3A, %eq3A_420 : vector<512x32xi32>
    %broadcast_in_dim3A_422 = vector.shape_cast %argmin3A_418 : vector<512xi32> to vector<512x1xi32>
    %broadcast_in_dim3A_423 = vector.shape_cast %broadcast_in_dim3A_422 : vector<512x1xi32> to vector<512x1xi32>
    %broadcast_in_dim3A_424 = vector.broadcast %broadcast_in_dim3A_423 : vector<512x1xi32> to vector<512x32xi32>
    %select_n3A_425 = arith.select %eq3A_421, %broadcast_in_dim3A_424, %select_n3A_398 : vector<512x32xi1>, vector<512x32xi32>
    %reduce_min3A_426 = arith.constant dense<0x7F800000> : vector<512xf32>
    %reduce_min3A_427 = vector.multi_reduction <minimumf>, %add3A_417, %reduce_min3A_426 [1] : vector<512x1024xf32> to vector<512xf32>
    %reduce_sum3A_428 = vector.shape_cast %reduce_min3A_427 : vector<512xf32> to vector<1x512xf32>
    %reduce_sum3A_429 = arith.constant dense<0.000000e+00> : vector<1xf32>
    %reduce_sum3A_430 = vector.multi_reduction <add>, %reduce_sum3A_428, %reduce_sum3A_429 [1] : vector<1x512xf32> to vector<1xf32>
    %reduce_sum3A_431 = vector.shape_cast %reduce_sum3A_430 : vector<1xf32> to vector<1x1xf32>
    %reduce_sum3A_432 = vector.extract %reduce_sum3A_431[0, 0] : f32 from vector<1x1xf32>
    %add3A_433 = arith.addf %add3A_406, %reduce_sum3A_432 : f32
    %slice3A_434 = vector.extract_strided_slice %add3A_49 {offsets = [0, 896], sizes = [512, 64], strides = [1, 1]} : vector<512x2048xf32> to vector<512x64xf32>
    %mul3A_435 = arith.mulf %slice3A_434, %slice3A_434 : vector<512x64xf32>
    %reduce_sum3A_436 = arith.constant dense<0.000000e+00> : vector<512xf32>
    %reduce_sum3A_437 = vector.multi_reduction <add>, %mul3A_435, %reduce_sum3A_436 [1] : vector<512x64xf32> to vector<512xf32>
    %broadcast_in_dim3A_438 = vector.shape_cast %reduce_sum3A_437 : vector<512xf32> to vector<512x1xf32>
    %dot_general3A_439 = arith.constant dense<0.000000e+00> : vector<512x1024xf32>
    %dot_general3A_440 = tpu.matmul %slice3A_434, %mul3A_57, %dot_general3A_439 {dimension_numbers = #tpu.dot_dimension_numbers<[1], [0], [0], [1], [0, 0, 1, 1], [], []>, transpose_lhs_hint = false} : vector<512x64xf32>, vector<64x1024xf32>, vector<512x1024xf32> -> vector<512x1024xf32>
    %add3A_441 = vector.broadcast %broadcast_in_dim3A_438 : vector<512x1xf32> to vector<512x1024xf32>
    %add3A_442 = arith.addf %add3A_441, %dot_general3A_440 : vector<512x1024xf32>
    %add3A_443 = vector.broadcast %broadcast_in_dim3A : vector<1x1024xf32> to vector<512x1024xf32>
    %add3A_444 = arith.addf %add3A_442, %add3A_443 : vector<512x1024xf32>
    %argmin3A_445 = tpu.reduce_index %add3A_444 {axis = 1 : i32, kind = #tpu.reduction_kind<arg_min>} : vector<512x1024xf32> -> vector<512xi32>
    %eq3A_446 = arith.constant 14 : i32
    %eq3A_447 = vector.broadcast %eq3A_446 : i32 to vector<512x32xi32>
    %eq3A_448 = arith.cmpi eq, %iota3A, %eq3A_447 : vector<512x32xi32>
    %broadcast_in_dim3A_449 = vector.shape_cast %argmin3A_445 : vector<512xi32> to vector<512x1xi32>
    %broadcast_in_dim3A_450 = vector.shape_cast %broadcast_in_dim3A_449 : vector<512x1xi32> to vector<512x1xi32>
    %broadcast_in_dim3A_451 = vector.broadcast %broadcast_in_dim3A_450 : vector<512x1xi32> to vector<512x32xi32>
    %select_n3A_452 = arith.select %eq3A_448, %broadcast_in_dim3A_451, %select_n3A_425 : vector<512x32xi1>, vector<512x32xi32>
    %reduce_min3A_453 = arith.constant dense<0x7F800000> : vector<512xf32>
    %reduce_min3A_454 = vector.multi_reduction <minimumf>, %add3A_444, %reduce_min3A_453 [1] : vector<512x1024xf32> to vector<512xf32>
    %reduce_sum3A_455 = vector.shape_cast %reduce_min3A_454 : vector<512xf32> to vector<1x512xf32>
    %reduce_sum3A_456 = arith.constant dense<0.000000e+00> : vector<1xf32>
    %reduce_sum3A_457 = vector.multi_reduction <add>, %reduce_sum3A_455, %reduce_sum3A_456 [1] : vector<1x512xf32> to vector<1xf32>
    %reduce_sum3A_458 = vector.shape_cast %reduce_sum3A_457 : vector<1xf32> to vector<1x1xf32>
    %reduce_sum3A_459 = vector.extract %reduce_sum3A_458[0, 0] : f32 from vector<1x1xf32>
    %add3A_460 = arith.addf %add3A_433, %reduce_sum3A_459 : f32
    %slice3A_461 = vector.extract_strided_slice %add3A_49 {offsets = [0, 960], sizes = [512, 64], strides = [1, 1]} : vector<512x2048xf32> to vector<512x64xf32>
    %mul3A_462 = arith.mulf %slice3A_461, %slice3A_461 : vector<512x64xf32>
    %reduce_sum3A_463 = arith.constant dense<0.000000e+00> : vector<512xf32>
    %reduce_sum3A_464 = vector.multi_reduction <add>, %mul3A_462, %reduce_sum3A_463 [1] : vector<512x64xf32> to vector<512xf32>
    %broadcast_in_dim3A_465 = vector.shape_cast %reduce_sum3A_464 : vector<512xf32> to vector<512x1xf32>
    %dot_general3A_466 = arith.constant dense<0.000000e+00> : vector<512x1024xf32>
    %dot_general3A_467 = tpu.matmul %slice3A_461, %mul3A_57, %dot_general3A_466 {dimension_numbers = #tpu.dot_dimension_numbers<[1], [0], [0], [1], [0, 0, 1, 1], [], []>, transpose_lhs_hint = false} : vector<512x64xf32>, vector<64x1024xf32>, vector<512x1024xf32> -> vector<512x1024xf32>
    %add3A_468 = vector.broadcast %broadcast_in_dim3A_465 : vector<512x1xf32> to vector<512x1024xf32>
    %add3A_469 = arith.addf %add3A_468, %dot_general3A_467 : vector<512x1024xf32>
    %add3A_470 = vector.broadcast %broadcast_in_dim3A : vector<1x1024xf32> to vector<512x1024xf32>
    %add3A_471 = arith.addf %add3A_469, %add3A_470 : vector<512x1024xf32>
    %argmin3A_472 = tpu.reduce_index %add3A_471 {axis = 1 : i32, kind = #tpu.reduction_kind<arg_min>} : vector<512x1024xf32> -> vector<512xi32>
    %eq3A_473 = arith.constant 15 : i32
    %eq3A_474 = vector.broadcast %eq3A_473 : i32 to vector<512x32xi32>
    %eq3A_475 = arith.cmpi eq, %iota3A, %eq3A_474 : vector<512x32xi32>
    %broadcast_in_dim3A_476 = vector.shape_cast %argmin3A_472 : vector<512xi32> to vector<512x1xi32>
    %broadcast_in_dim3A_477 = vector.shape_cast %broadcast_in_dim3A_476 : vector<512x1xi32> to vector<512x1xi32>
    %broadcast_in_dim3A_478 = vector.broadcast %broadcast_in_dim3A_477 : vector<512x1xi32> to vector<512x32xi32>
    %select_n3A_479 = arith.select %eq3A_475, %broadcast_in_dim3A_478, %select_n3A_452 : vector<512x32xi1>, vector<512x32xi32>
    %reduce_min3A_480 = arith.constant dense<0x7F800000> : vector<512xf32>
    %reduce_min3A_481 = vector.multi_reduction <minimumf>, %add3A_471, %reduce_min3A_480 [1] : vector<512x1024xf32> to vector<512xf32>
    %reduce_sum3A_482 = vector.shape_cast %reduce_min3A_481 : vector<512xf32> to vector<1x512xf32>
    %reduce_sum3A_483 = arith.constant dense<0.000000e+00> : vector<1xf32>
    %reduce_sum3A_484 = vector.multi_reduction <add>, %reduce_sum3A_482, %reduce_sum3A_483 [1] : vector<1x512xf32> to vector<1xf32>
    %reduce_sum3A_485 = vector.shape_cast %reduce_sum3A_484 : vector<1xf32> to vector<1x1xf32>
    %reduce_sum3A_486 = vector.extract %reduce_sum3A_485[0, 0] : f32 from vector<1x1xf32>
    %add3A_487 = arith.addf %add3A_460, %reduce_sum3A_486 : f32
    %slice3A_488 = vector.extract_strided_slice %add3A_49 {offsets = [0, 1024], sizes = [512, 64], strides = [1, 1]} : vector<512x2048xf32> to vector<512x64xf32>
    %mul3A_489 = arith.mulf %slice3A_488, %slice3A_488 : vector<512x64xf32>
    %reduce_sum3A_490 = arith.constant dense<0.000000e+00> : vector<512xf32>
    %reduce_sum3A_491 = vector.multi_reduction <add>, %mul3A_489, %reduce_sum3A_490 [1] : vector<512x64xf32> to vector<512xf32>
    %broadcast_in_dim3A_492 = vector.shape_cast %reduce_sum3A_491 : vector<512xf32> to vector<512x1xf32>
    %dot_general3A_493 = arith.constant dense<0.000000e+00> : vector<512x1024xf32>
    %dot_general3A_494 = tpu.matmul %slice3A_488, %mul3A_57, %dot_general3A_493 {dimension_numbers = #tpu.dot_dimension_numbers<[1], [0], [0], [1], [0, 0, 1, 1], [], []>, transpose_lhs_hint = false} : vector<512x64xf32>, vector<64x1024xf32>, vector<512x1024xf32> -> vector<512x1024xf32>
    %add3A_495 = vector.broadcast %broadcast_in_dim3A_492 : vector<512x1xf32> to vector<512x1024xf32>
    %add3A_496 = arith.addf %add3A_495, %dot_general3A_494 : vector<512x1024xf32>
    %add3A_497 = vector.broadcast %broadcast_in_dim3A : vector<1x1024xf32> to vector<512x1024xf32>
    %add3A_498 = arith.addf %add3A_496, %add3A_497 : vector<512x1024xf32>
    %argmin3A_499 = tpu.reduce_index %add3A_498 {axis = 1 : i32, kind = #tpu.reduction_kind<arg_min>} : vector<512x1024xf32> -> vector<512xi32>
    %eq3A_500 = arith.constant 16 : i32
    %eq3A_501 = vector.broadcast %eq3A_500 : i32 to vector<512x32xi32>
    %eq3A_502 = arith.cmpi eq, %iota3A, %eq3A_501 : vector<512x32xi32>
    %broadcast_in_dim3A_503 = vector.shape_cast %argmin3A_499 : vector<512xi32> to vector<512x1xi32>
    %broadcast_in_dim3A_504 = vector.shape_cast %broadcast_in_dim3A_503 : vector<512x1xi32> to vector<512x1xi32>
    %broadcast_in_dim3A_505 = vector.broadcast %broadcast_in_dim3A_504 : vector<512x1xi32> to vector<512x32xi32>
    %select_n3A_506 = arith.select %eq3A_502, %broadcast_in_dim3A_505, %select_n3A_479 : vector<512x32xi1>, vector<512x32xi32>
    %reduce_min3A_507 = arith.constant dense<0x7F800000> : vector<512xf32>
    %reduce_min3A_508 = vector.multi_reduction <minimumf>, %add3A_498, %reduce_min3A_507 [1] : vector<512x1024xf32> to vector<512xf32>
    %reduce_sum3A_509 = vector.shape_cast %reduce_min3A_508 : vector<512xf32> to vector<1x512xf32>
    %reduce_sum3A_510 = arith.constant dense<0.000000e+00> : vector<1xf32>
    %reduce_sum3A_511 = vector.multi_reduction <add>, %reduce_sum3A_509, %reduce_sum3A_510 [1] : vector<1x512xf32> to vector<1xf32>
    %reduce_sum3A_512 = vector.shape_cast %reduce_sum3A_511 : vector<1xf32> to vector<1x1xf32>
    %reduce_sum3A_513 = vector.extract %reduce_sum3A_512[0, 0] : f32 from vector<1x1xf32>
    %add3A_514 = arith.addf %add3A_487, %reduce_sum3A_513 : f32
    %slice3A_515 = vector.extract_strided_slice %add3A_49 {offsets = [0, 1088], sizes = [512, 64], strides = [1, 1]} : vector<512x2048xf32> to vector<512x64xf32>
    %mul3A_516 = arith.mulf %slice3A_515, %slice3A_515 : vector<512x64xf32>
    %reduce_sum3A_517 = arith.constant dense<0.000000e+00> : vector<512xf32>
    %reduce_sum3A_518 = vector.multi_reduction <add>, %mul3A_516, %reduce_sum3A_517 [1] : vector<512x64xf32> to vector<512xf32>
    %broadcast_in_dim3A_519 = vector.shape_cast %reduce_sum3A_518 : vector<512xf32> to vector<512x1xf32>
    %dot_general3A_520 = arith.constant dense<0.000000e+00> : vector<512x1024xf32>
    %dot_general3A_521 = tpu.matmul %slice3A_515, %mul3A_57, %dot_general3A_520 {dimension_numbers = #tpu.dot_dimension_numbers<[1], [0], [0], [1], [0, 0, 1, 1], [], []>, transpose_lhs_hint = false} : vector<512x64xf32>, vector<64x1024xf32>, vector<512x1024xf32> -> vector<512x1024xf32>
    %add3A_522 = vector.broadcast %broadcast_in_dim3A_519 : vector<512x1xf32> to vector<512x1024xf32>
    %add3A_523 = arith.addf %add3A_522, %dot_general3A_521 : vector<512x1024xf32>
    %add3A_524 = vector.broadcast %broadcast_in_dim3A : vector<1x1024xf32> to vector<512x1024xf32>
    %add3A_525 = arith.addf %add3A_523, %add3A_524 : vector<512x1024xf32>
    %argmin3A_526 = tpu.reduce_index %add3A_525 {axis = 1 : i32, kind = #tpu.reduction_kind<arg_min>} : vector<512x1024xf32> -> vector<512xi32>
    %eq3A_527 = arith.constant 17 : i32
    %eq3A_528 = vector.broadcast %eq3A_527 : i32 to vector<512x32xi32>
    %eq3A_529 = arith.cmpi eq, %iota3A, %eq3A_528 : vector<512x32xi32>
    %broadcast_in_dim3A_530 = vector.shape_cast %argmin3A_526 : vector<512xi32> to vector<512x1xi32>
    %broadcast_in_dim3A_531 = vector.shape_cast %broadcast_in_dim3A_530 : vector<512x1xi32> to vector<512x1xi32>
    %broadcast_in_dim3A_532 = vector.broadcast %broadcast_in_dim3A_531 : vector<512x1xi32> to vector<512x32xi32>
    %select_n3A_533 = arith.select %eq3A_529, %broadcast_in_dim3A_532, %select_n3A_506 : vector<512x32xi1>, vector<512x32xi32>
    %reduce_min3A_534 = arith.constant dense<0x7F800000> : vector<512xf32>
    %reduce_min3A_535 = vector.multi_reduction <minimumf>, %add3A_525, %reduce_min3A_534 [1] : vector<512x1024xf32> to vector<512xf32>
    %reduce_sum3A_536 = vector.shape_cast %reduce_min3A_535 : vector<512xf32> to vector<1x512xf32>
    %reduce_sum3A_537 = arith.constant dense<0.000000e+00> : vector<1xf32>
    %reduce_sum3A_538 = vector.multi_reduction <add>, %reduce_sum3A_536, %reduce_sum3A_537 [1] : vector<1x512xf32> to vector<1xf32>
    %reduce_sum3A_539 = vector.shape_cast %reduce_sum3A_538 : vector<1xf32> to vector<1x1xf32>
    %reduce_sum3A_540 = vector.extract %reduce_sum3A_539[0, 0] : f32 from vector<1x1xf32>
    %add3A_541 = arith.addf %add3A_514, %reduce_sum3A_540 : f32
    %slice3A_542 = vector.extract_strided_slice %add3A_49 {offsets = [0, 1152], sizes = [512, 64], strides = [1, 1]} : vector<512x2048xf32> to vector<512x64xf32>
    %mul3A_543 = arith.mulf %slice3A_542, %slice3A_542 : vector<512x64xf32>
    %reduce_sum3A_544 = arith.constant dense<0.000000e+00> : vector<512xf32>
    %reduce_sum3A_545 = vector.multi_reduction <add>, %mul3A_543, %reduce_sum3A_544 [1] : vector<512x64xf32> to vector<512xf32>
    %broadcast_in_dim3A_546 = vector.shape_cast %reduce_sum3A_545 : vector<512xf32> to vector<512x1xf32>
    %dot_general3A_547 = arith.constant dense<0.000000e+00> : vector<512x1024xf32>
    %dot_general3A_548 = tpu.matmul %slice3A_542, %mul3A_57, %dot_general3A_547 {dimension_numbers = #tpu.dot_dimension_numbers<[1], [0], [0], [1], [0, 0, 1, 1], [], []>, transpose_lhs_hint = false} : vector<512x64xf32>, vector<64x1024xf32>, vector<512x1024xf32> -> vector<512x1024xf32>
    %add3A_549 = vector.broadcast %broadcast_in_dim3A_546 : vector<512x1xf32> to vector<512x1024xf32>
    %add3A_550 = arith.addf %add3A_549, %dot_general3A_548 : vector<512x1024xf32>
    %add3A_551 = vector.broadcast %broadcast_in_dim3A : vector<1x1024xf32> to vector<512x1024xf32>
    %add3A_552 = arith.addf %add3A_550, %add3A_551 : vector<512x1024xf32>
    %argmin3A_553 = tpu.reduce_index %add3A_552 {axis = 1 : i32, kind = #tpu.reduction_kind<arg_min>} : vector<512x1024xf32> -> vector<512xi32>
    %eq3A_554 = arith.constant 18 : i32
    %eq3A_555 = vector.broadcast %eq3A_554 : i32 to vector<512x32xi32>
    %eq3A_556 = arith.cmpi eq, %iota3A, %eq3A_555 : vector<512x32xi32>
    %broadcast_in_dim3A_557 = vector.shape_cast %argmin3A_553 : vector<512xi32> to vector<512x1xi32>
    %broadcast_in_dim3A_558 = vector.shape_cast %broadcast_in_dim3A_557 : vector<512x1xi32> to vector<512x1xi32>
    %broadcast_in_dim3A_559 = vector.broadcast %broadcast_in_dim3A_558 : vector<512x1xi32> to vector<512x32xi32>
    %select_n3A_560 = arith.select %eq3A_556, %broadcast_in_dim3A_559, %select_n3A_533 : vector<512x32xi1>, vector<512x32xi32>
    %reduce_min3A_561 = arith.constant dense<0x7F800000> : vector<512xf32>
    %reduce_min3A_562 = vector.multi_reduction <minimumf>, %add3A_552, %reduce_min3A_561 [1] : vector<512x1024xf32> to vector<512xf32>
    %reduce_sum3A_563 = vector.shape_cast %reduce_min3A_562 : vector<512xf32> to vector<1x512xf32>
    %reduce_sum3A_564 = arith.constant dense<0.000000e+00> : vector<1xf32>
    %reduce_sum3A_565 = vector.multi_reduction <add>, %reduce_sum3A_563, %reduce_sum3A_564 [1] : vector<1x512xf32> to vector<1xf32>
    %reduce_sum3A_566 = vector.shape_cast %reduce_sum3A_565 : vector<1xf32> to vector<1x1xf32>
    %reduce_sum3A_567 = vector.extract %reduce_sum3A_566[0, 0] : f32 from vector<1x1xf32>
    %add3A_568 = arith.addf %add3A_541, %reduce_sum3A_567 : f32
    %slice3A_569 = vector.extract_strided_slice %add3A_49 {offsets = [0, 1216], sizes = [512, 64], strides = [1, 1]} : vector<512x2048xf32> to vector<512x64xf32>
    %mul3A_570 = arith.mulf %slice3A_569, %slice3A_569 : vector<512x64xf32>
    %reduce_sum3A_571 = arith.constant dense<0.000000e+00> : vector<512xf32>
    %reduce_sum3A_572 = vector.multi_reduction <add>, %mul3A_570, %reduce_sum3A_571 [1] : vector<512x64xf32> to vector<512xf32>
    %broadcast_in_dim3A_573 = vector.shape_cast %reduce_sum3A_572 : vector<512xf32> to vector<512x1xf32>
    %dot_general3A_574 = arith.constant dense<0.000000e+00> : vector<512x1024xf32>
    %dot_general3A_575 = tpu.matmul %slice3A_569, %mul3A_57, %dot_general3A_574 {dimension_numbers = #tpu.dot_dimension_numbers<[1], [0], [0], [1], [0, 0, 1, 1], [], []>, transpose_lhs_hint = false} : vector<512x64xf32>, vector<64x1024xf32>, vector<512x1024xf32> -> vector<512x1024xf32>
    %add3A_576 = vector.broadcast %broadcast_in_dim3A_573 : vector<512x1xf32> to vector<512x1024xf32>
    %add3A_577 = arith.addf %add3A_576, %dot_general3A_575 : vector<512x1024xf32>
    %add3A_578 = vector.broadcast %broadcast_in_dim3A : vector<1x1024xf32> to vector<512x1024xf32>
    %add3A_579 = arith.addf %add3A_577, %add3A_578 : vector<512x1024xf32>
    %argmin3A_580 = tpu.reduce_index %add3A_579 {axis = 1 : i32, kind = #tpu.reduction_kind<arg_min>} : vector<512x1024xf32> -> vector<512xi32>
    %eq3A_581 = arith.constant 19 : i32
    %eq3A_582 = vector.broadcast %eq3A_581 : i32 to vector<512x32xi32>
    %eq3A_583 = arith.cmpi eq, %iota3A, %eq3A_582 : vector<512x32xi32>
    %broadcast_in_dim3A_584 = vector.shape_cast %argmin3A_580 : vector<512xi32> to vector<512x1xi32>
    %broadcast_in_dim3A_585 = vector.shape_cast %broadcast_in_dim3A_584 : vector<512x1xi32> to vector<512x1xi32>
    %broadcast_in_dim3A_586 = vector.broadcast %broadcast_in_dim3A_585 : vector<512x1xi32> to vector<512x32xi32>
    %select_n3A_587 = arith.select %eq3A_583, %broadcast_in_dim3A_586, %select_n3A_560 : vector<512x32xi1>, vector<512x32xi32>
    %reduce_min3A_588 = arith.constant dense<0x7F800000> : vector<512xf32>
    %reduce_min3A_589 = vector.multi_reduction <minimumf>, %add3A_579, %reduce_min3A_588 [1] : vector<512x1024xf32> to vector<512xf32>
    %reduce_sum3A_590 = vector.shape_cast %reduce_min3A_589 : vector<512xf32> to vector<1x512xf32>
    %reduce_sum3A_591 = arith.constant dense<0.000000e+00> : vector<1xf32>
    %reduce_sum3A_592 = vector.multi_reduction <add>, %reduce_sum3A_590, %reduce_sum3A_591 [1] : vector<1x512xf32> to vector<1xf32>
    %reduce_sum3A_593 = vector.shape_cast %reduce_sum3A_592 : vector<1xf32> to vector<1x1xf32>
    %reduce_sum3A_594 = vector.extract %reduce_sum3A_593[0, 0] : f32 from vector<1x1xf32>
    %add3A_595 = arith.addf %add3A_568, %reduce_sum3A_594 : f32
    %slice3A_596 = vector.extract_strided_slice %add3A_49 {offsets = [0, 1280], sizes = [512, 64], strides = [1, 1]} : vector<512x2048xf32> to vector<512x64xf32>
    %mul3A_597 = arith.mulf %slice3A_596, %slice3A_596 : vector<512x64xf32>
    %reduce_sum3A_598 = arith.constant dense<0.000000e+00> : vector<512xf32>
    %reduce_sum3A_599 = vector.multi_reduction <add>, %mul3A_597, %reduce_sum3A_598 [1] : vector<512x64xf32> to vector<512xf32>
    %broadcast_in_dim3A_600 = vector.shape_cast %reduce_sum3A_599 : vector<512xf32> to vector<512x1xf32>
    %dot_general3A_601 = arith.constant dense<0.000000e+00> : vector<512x1024xf32>
    %dot_general3A_602 = tpu.matmul %slice3A_596, %mul3A_57, %dot_general3A_601 {dimension_numbers = #tpu.dot_dimension_numbers<[1], [0], [0], [1], [0, 0, 1, 1], [], []>, transpose_lhs_hint = false} : vector<512x64xf32>, vector<64x1024xf32>, vector<512x1024xf32> -> vector<512x1024xf32>
    %add3A_603 = vector.broadcast %broadcast_in_dim3A_600 : vector<512x1xf32> to vector<512x1024xf32>
    %add3A_604 = arith.addf %add3A_603, %dot_general3A_602 : vector<512x1024xf32>
    %add3A_605 = vector.broadcast %broadcast_in_dim3A : vector<1x1024xf32> to vector<512x1024xf32>
    %add3A_606 = arith.addf %add3A_604, %add3A_605 : vector<512x1024xf32>
    %argmin3A_607 = tpu.reduce_index %add3A_606 {axis = 1 : i32, kind = #tpu.reduction_kind<arg_min>} : vector<512x1024xf32> -> vector<512xi32>
    %eq3A_608 = arith.constant 20 : i32
    %eq3A_609 = vector.broadcast %eq3A_608 : i32 to vector<512x32xi32>
    %eq3A_610 = arith.cmpi eq, %iota3A, %eq3A_609 : vector<512x32xi32>
    %broadcast_in_dim3A_611 = vector.shape_cast %argmin3A_607 : vector<512xi32> to vector<512x1xi32>
    %broadcast_in_dim3A_612 = vector.shape_cast %broadcast_in_dim3A_611 : vector<512x1xi32> to vector<512x1xi32>
    %broadcast_in_dim3A_613 = vector.broadcast %broadcast_in_dim3A_612 : vector<512x1xi32> to vector<512x32xi32>
    %select_n3A_614 = arith.select %eq3A_610, %broadcast_in_dim3A_613, %select_n3A_587 : vector<512x32xi1>, vector<512x32xi32>
    %reduce_min3A_615 = arith.constant dense<0x7F800000> : vector<512xf32>
    %reduce_min3A_616 = vector.multi_reduction <minimumf>, %add3A_606, %reduce_min3A_615 [1] : vector<512x1024xf32> to vector<512xf32>
    %reduce_sum3A_617 = vector.shape_cast %reduce_min3A_616 : vector<512xf32> to vector<1x512xf32>
    %reduce_sum3A_618 = arith.constant dense<0.000000e+00> : vector<1xf32>
    %reduce_sum3A_619 = vector.multi_reduction <add>, %reduce_sum3A_617, %reduce_sum3A_618 [1] : vector<1x512xf32> to vector<1xf32>
    %reduce_sum3A_620 = vector.shape_cast %reduce_sum3A_619 : vector<1xf32> to vector<1x1xf32>
    %reduce_sum3A_621 = vector.extract %reduce_sum3A_620[0, 0] : f32 from vector<1x1xf32>
    %add3A_622 = arith.addf %add3A_595, %reduce_sum3A_621 : f32
    %slice3A_623 = vector.extract_strided_slice %add3A_49 {offsets = [0, 1344], sizes = [512, 64], strides = [1, 1]} : vector<512x2048xf32> to vector<512x64xf32>
    %mul3A_624 = arith.mulf %slice3A_623, %slice3A_623 : vector<512x64xf32>
    %reduce_sum3A_625 = arith.constant dense<0.000000e+00> : vector<512xf32>
    %reduce_sum3A_626 = vector.multi_reduction <add>, %mul3A_624, %reduce_sum3A_625 [1] : vector<512x64xf32> to vector<512xf32>
    %broadcast_in_dim3A_627 = vector.shape_cast %reduce_sum3A_626 : vector<512xf32> to vector<512x1xf32>
    %dot_general3A_628 = arith.constant dense<0.000000e+00> : vector<512x1024xf32>
    %dot_general3A_629 = tpu.matmul %slice3A_623, %mul3A_57, %dot_general3A_628 {dimension_numbers = #tpu.dot_dimension_numbers<[1], [0], [0], [1], [0, 0, 1, 1], [], []>, transpose_lhs_hint = false} : vector<512x64xf32>, vector<64x1024xf32>, vector<512x1024xf32> -> vector<512x1024xf32>
    %add3A_630 = vector.broadcast %broadcast_in_dim3A_627 : vector<512x1xf32> to vector<512x1024xf32>
    %add3A_631 = arith.addf %add3A_630, %dot_general3A_629 : vector<512x1024xf32>
    %add3A_632 = vector.broadcast %broadcast_in_dim3A : vector<1x1024xf32> to vector<512x1024xf32>
    %add3A_633 = arith.addf %add3A_631, %add3A_632 : vector<512x1024xf32>
    %argmin3A_634 = tpu.reduce_index %add3A_633 {axis = 1 : i32, kind = #tpu.reduction_kind<arg_min>} : vector<512x1024xf32> -> vector<512xi32>
    %eq3A_635 = arith.constant 21 : i32
    %eq3A_636 = vector.broadcast %eq3A_635 : i32 to vector<512x32xi32>
    %eq3A_637 = arith.cmpi eq, %iota3A, %eq3A_636 : vector<512x32xi32>
    %broadcast_in_dim3A_638 = vector.shape_cast %argmin3A_634 : vector<512xi32> to vector<512x1xi32>
    %broadcast_in_dim3A_639 = vector.shape_cast %broadcast_in_dim3A_638 : vector<512x1xi32> to vector<512x1xi32>
    %broadcast_in_dim3A_640 = vector.broadcast %broadcast_in_dim3A_639 : vector<512x1xi32> to vector<512x32xi32>
    %select_n3A_641 = arith.select %eq3A_637, %broadcast_in_dim3A_640, %select_n3A_614 : vector<512x32xi1>, vector<512x32xi32>
    %reduce_min3A_642 = arith.constant dense<0x7F800000> : vector<512xf32>
    %reduce_min3A_643 = vector.multi_reduction <minimumf>, %add3A_633, %reduce_min3A_642 [1] : vector<512x1024xf32> to vector<512xf32>
    %reduce_sum3A_644 = vector.shape_cast %reduce_min3A_643 : vector<512xf32> to vector<1x512xf32>
    %reduce_sum3A_645 = arith.constant dense<0.000000e+00> : vector<1xf32>
    %reduce_sum3A_646 = vector.multi_reduction <add>, %reduce_sum3A_644, %reduce_sum3A_645 [1] : vector<1x512xf32> to vector<1xf32>
    %reduce_sum3A_647 = vector.shape_cast %reduce_sum3A_646 : vector<1xf32> to vector<1x1xf32>
    %reduce_sum3A_648 = vector.extract %reduce_sum3A_647[0, 0] : f32 from vector<1x1xf32>
    %add3A_649 = arith.addf %add3A_622, %reduce_sum3A_648 : f32
    %slice3A_650 = vector.extract_strided_slice %add3A_49 {offsets = [0, 1408], sizes = [512, 64], strides = [1, 1]} : vector<512x2048xf32> to vector<512x64xf32>
    %mul3A_651 = arith.mulf %slice3A_650, %slice3A_650 : vector<512x64xf32>
    %reduce_sum3A_652 = arith.constant dense<0.000000e+00> : vector<512xf32>
    %reduce_sum3A_653 = vector.multi_reduction <add>, %mul3A_651, %reduce_sum3A_652 [1] : vector<512x64xf32> to vector<512xf32>
    %broadcast_in_dim3A_654 = vector.shape_cast %reduce_sum3A_653 : vector<512xf32> to vector<512x1xf32>
    %dot_general3A_655 = arith.constant dense<0.000000e+00> : vector<512x1024xf32>
    %dot_general3A_656 = tpu.matmul %slice3A_650, %mul3A_57, %dot_general3A_655 {dimension_numbers = #tpu.dot_dimension_numbers<[1], [0], [0], [1], [0, 0, 1, 1], [], []>, transpose_lhs_hint = false} : vector<512x64xf32>, vector<64x1024xf32>, vector<512x1024xf32> -> vector<512x1024xf32>
    %add3A_657 = vector.broadcast %broadcast_in_dim3A_654 : vector<512x1xf32> to vector<512x1024xf32>
    %add3A_658 = arith.addf %add3A_657, %dot_general3A_656 : vector<512x1024xf32>
    %add3A_659 = vector.broadcast %broadcast_in_dim3A : vector<1x1024xf32> to vector<512x1024xf32>
    %add3A_660 = arith.addf %add3A_658, %add3A_659 : vector<512x1024xf32>
    %argmin3A_661 = tpu.reduce_index %add3A_660 {axis = 1 : i32, kind = #tpu.reduction_kind<arg_min>} : vector<512x1024xf32> -> vector<512xi32>
    %eq3A_662 = arith.constant 22 : i32
    %eq3A_663 = vector.broadcast %eq3A_662 : i32 to vector<512x32xi32>
    %eq3A_664 = arith.cmpi eq, %iota3A, %eq3A_663 : vector<512x32xi32>
    %broadcast_in_dim3A_665 = vector.shape_cast %argmin3A_661 : vector<512xi32> to vector<512x1xi32>
    %broadcast_in_dim3A_666 = vector.shape_cast %broadcast_in_dim3A_665 : vector<512x1xi32> to vector<512x1xi32>
    %broadcast_in_dim3A_667 = vector.broadcast %broadcast_in_dim3A_666 : vector<512x1xi32> to vector<512x32xi32>
    %select_n3A_668 = arith.select %eq3A_664, %broadcast_in_dim3A_667, %select_n3A_641 : vector<512x32xi1>, vector<512x32xi32>
    %reduce_min3A_669 = arith.constant dense<0x7F800000> : vector<512xf32>
    %reduce_min3A_670 = vector.multi_reduction <minimumf>, %add3A_660, %reduce_min3A_669 [1] : vector<512x1024xf32> to vector<512xf32>
    %reduce_sum3A_671 = vector.shape_cast %reduce_min3A_670 : vector<512xf32> to vector<1x512xf32>
    %reduce_sum3A_672 = arith.constant dense<0.000000e+00> : vector<1xf32>
    %reduce_sum3A_673 = vector.multi_reduction <add>, %reduce_sum3A_671, %reduce_sum3A_672 [1] : vector<1x512xf32> to vector<1xf32>
    %reduce_sum3A_674 = vector.shape_cast %reduce_sum3A_673 : vector<1xf32> to vector<1x1xf32>
    %reduce_sum3A_675 = vector.extract %reduce_sum3A_674[0, 0] : f32 from vector<1x1xf32>
    %add3A_676 = arith.addf %add3A_649, %reduce_sum3A_675 : f32
    %slice3A_677 = vector.extract_strided_slice %add3A_49 {offsets = [0, 1472], sizes = [512, 64], strides = [1, 1]} : vector<512x2048xf32> to vector<512x64xf32>
    %mul3A_678 = arith.mulf %slice3A_677, %slice3A_677 : vector<512x64xf32>
    %reduce_sum3A_679 = arith.constant dense<0.000000e+00> : vector<512xf32>
    %reduce_sum3A_680 = vector.multi_reduction <add>, %mul3A_678, %reduce_sum3A_679 [1] : vector<512x64xf32> to vector<512xf32>
    %broadcast_in_dim3A_681 = vector.shape_cast %reduce_sum3A_680 : vector<512xf32> to vector<512x1xf32>
    %dot_general3A_682 = arith.constant dense<0.000000e+00> : vector<512x1024xf32>
    %dot_general3A_683 = tpu.matmul %slice3A_677, %mul3A_57, %dot_general3A_682 {dimension_numbers = #tpu.dot_dimension_numbers<[1], [0], [0], [1], [0, 0, 1, 1], [], []>, transpose_lhs_hint = false} : vector<512x64xf32>, vector<64x1024xf32>, vector<512x1024xf32> -> vector<512x1024xf32>
    %add3A_684 = vector.broadcast %broadcast_in_dim3A_681 : vector<512x1xf32> to vector<512x1024xf32>
    %add3A_685 = arith.addf %add3A_684, %dot_general3A_683 : vector<512x1024xf32>
    %add3A_686 = vector.broadcast %broadcast_in_dim3A : vector<1x1024xf32> to vector<512x1024xf32>
    %add3A_687 = arith.addf %add3A_685, %add3A_686 : vector<512x1024xf32>
    %argmin3A_688 = tpu.reduce_index %add3A_687 {axis = 1 : i32, kind = #tpu.reduction_kind<arg_min>} : vector<512x1024xf32> -> vector<512xi32>
    %eq3A_689 = arith.constant 23 : i32
    %eq3A_690 = vector.broadcast %eq3A_689 : i32 to vector<512x32xi32>
    %eq3A_691 = arith.cmpi eq, %iota3A, %eq3A_690 : vector<512x32xi32>
    %broadcast_in_dim3A_692 = vector.shape_cast %argmin3A_688 : vector<512xi32> to vector<512x1xi32>
    %broadcast_in_dim3A_693 = vector.shape_cast %broadcast_in_dim3A_692 : vector<512x1xi32> to vector<512x1xi32>
    %broadcast_in_dim3A_694 = vector.broadcast %broadcast_in_dim3A_693 : vector<512x1xi32> to vector<512x32xi32>
    %select_n3A_695 = arith.select %eq3A_691, %broadcast_in_dim3A_694, %select_n3A_668 : vector<512x32xi1>, vector<512x32xi32>
    %reduce_min3A_696 = arith.constant dense<0x7F800000> : vector<512xf32>
    %reduce_min3A_697 = vector.multi_reduction <minimumf>, %add3A_687, %reduce_min3A_696 [1] : vector<512x1024xf32> to vector<512xf32>
    %reduce_sum3A_698 = vector.shape_cast %reduce_min3A_697 : vector<512xf32> to vector<1x512xf32>
    %reduce_sum3A_699 = arith.constant dense<0.000000e+00> : vector<1xf32>
    %reduce_sum3A_700 = vector.multi_reduction <add>, %reduce_sum3A_698, %reduce_sum3A_699 [1] : vector<1x512xf32> to vector<1xf32>
    %reduce_sum3A_701 = vector.shape_cast %reduce_sum3A_700 : vector<1xf32> to vector<1x1xf32>
    %reduce_sum3A_702 = vector.extract %reduce_sum3A_701[0, 0] : f32 from vector<1x1xf32>
    %add3A_703 = arith.addf %add3A_676, %reduce_sum3A_702 : f32
    %slice3A_704 = vector.extract_strided_slice %add3A_49 {offsets = [0, 1536], sizes = [512, 64], strides = [1, 1]} : vector<512x2048xf32> to vector<512x64xf32>
    %mul3A_705 = arith.mulf %slice3A_704, %slice3A_704 : vector<512x64xf32>
    %reduce_sum3A_706 = arith.constant dense<0.000000e+00> : vector<512xf32>
    %reduce_sum3A_707 = vector.multi_reduction <add>, %mul3A_705, %reduce_sum3A_706 [1] : vector<512x64xf32> to vector<512xf32>
    %broadcast_in_dim3A_708 = vector.shape_cast %reduce_sum3A_707 : vector<512xf32> to vector<512x1xf32>
    %dot_general3A_709 = arith.constant dense<0.000000e+00> : vector<512x1024xf32>
    %dot_general3A_710 = tpu.matmul %slice3A_704, %mul3A_57, %dot_general3A_709 {dimension_numbers = #tpu.dot_dimension_numbers<[1], [0], [0], [1], [0, 0, 1, 1], [], []>, transpose_lhs_hint = false} : vector<512x64xf32>, vector<64x1024xf32>, vector<512x1024xf32> -> vector<512x1024xf32>
    %add3A_711 = vector.broadcast %broadcast_in_dim3A_708 : vector<512x1xf32> to vector<512x1024xf32>
    %add3A_712 = arith.addf %add3A_711, %dot_general3A_710 : vector<512x1024xf32>
    %add3A_713 = vector.broadcast %broadcast_in_dim3A : vector<1x1024xf32> to vector<512x1024xf32>
    %add3A_714 = arith.addf %add3A_712, %add3A_713 : vector<512x1024xf32>
    %argmin3A_715 = tpu.reduce_index %add3A_714 {axis = 1 : i32, kind = #tpu.reduction_kind<arg_min>} : vector<512x1024xf32> -> vector<512xi32>
    %eq3A_716 = arith.constant 24 : i32
    %eq3A_717 = vector.broadcast %eq3A_716 : i32 to vector<512x32xi32>
    %eq3A_718 = arith.cmpi eq, %iota3A, %eq3A_717 : vector<512x32xi32>
    %broadcast_in_dim3A_719 = vector.shape_cast %argmin3A_715 : vector<512xi32> to vector<512x1xi32>
    %broadcast_in_dim3A_720 = vector.shape_cast %broadcast_in_dim3A_719 : vector<512x1xi32> to vector<512x1xi32>
    %broadcast_in_dim3A_721 = vector.broadcast %broadcast_in_dim3A_720 : vector<512x1xi32> to vector<512x32xi32>
    %select_n3A_722 = arith.select %eq3A_718, %broadcast_in_dim3A_721, %select_n3A_695 : vector<512x32xi1>, vector<512x32xi32>
    %reduce_min3A_723 = arith.constant dense<0x7F800000> : vector<512xf32>
    %reduce_min3A_724 = vector.multi_reduction <minimumf>, %add3A_714, %reduce_min3A_723 [1] : vector<512x1024xf32> to vector<512xf32>
    %reduce_sum3A_725 = vector.shape_cast %reduce_min3A_724 : vector<512xf32> to vector<1x512xf32>
    %reduce_sum3A_726 = arith.constant dense<0.000000e+00> : vector<1xf32>
    %reduce_sum3A_727 = vector.multi_reduction <add>, %reduce_sum3A_725, %reduce_sum3A_726 [1] : vector<1x512xf32> to vector<1xf32>
    %reduce_sum3A_728 = vector.shape_cast %reduce_sum3A_727 : vector<1xf32> to vector<1x1xf32>
    %reduce_sum3A_729 = vector.extract %reduce_sum3A_728[0, 0] : f32 from vector<1x1xf32>
    %add3A_730 = arith.addf %add3A_703, %reduce_sum3A_729 : f32
    %slice3A_731 = vector.extract_strided_slice %add3A_49 {offsets = [0, 1600], sizes = [512, 64], strides = [1, 1]} : vector<512x2048xf32> to vector<512x64xf32>
    %mul3A_732 = arith.mulf %slice3A_731, %slice3A_731 : vector<512x64xf32>
    %reduce_sum3A_733 = arith.constant dense<0.000000e+00> : vector<512xf32>
    %reduce_sum3A_734 = vector.multi_reduction <add>, %mul3A_732, %reduce_sum3A_733 [1] : vector<512x64xf32> to vector<512xf32>
    %broadcast_in_dim3A_735 = vector.shape_cast %reduce_sum3A_734 : vector<512xf32> to vector<512x1xf32>
    %dot_general3A_736 = arith.constant dense<0.000000e+00> : vector<512x1024xf32>
    %dot_general3A_737 = tpu.matmul %slice3A_731, %mul3A_57, %dot_general3A_736 {dimension_numbers = #tpu.dot_dimension_numbers<[1], [0], [0], [1], [0, 0, 1, 1], [], []>, transpose_lhs_hint = false} : vector<512x64xf32>, vector<64x1024xf32>, vector<512x1024xf32> -> vector<512x1024xf32>
    %add3A_738 = vector.broadcast %broadcast_in_dim3A_735 : vector<512x1xf32> to vector<512x1024xf32>
    %add3A_739 = arith.addf %add3A_738, %dot_general3A_737 : vector<512x1024xf32>
    %add3A_740 = vector.broadcast %broadcast_in_dim3A : vector<1x1024xf32> to vector<512x1024xf32>
    %add3A_741 = arith.addf %add3A_739, %add3A_740 : vector<512x1024xf32>
    %argmin3A_742 = tpu.reduce_index %add3A_741 {axis = 1 : i32, kind = #tpu.reduction_kind<arg_min>} : vector<512x1024xf32> -> vector<512xi32>
    %eq3A_743 = arith.constant 25 : i32
    %eq3A_744 = vector.broadcast %eq3A_743 : i32 to vector<512x32xi32>
    %eq3A_745 = arith.cmpi eq, %iota3A, %eq3A_744 : vector<512x32xi32>
    %broadcast_in_dim3A_746 = vector.shape_cast %argmin3A_742 : vector<512xi32> to vector<512x1xi32>
    %broadcast_in_dim3A_747 = vector.shape_cast %broadcast_in_dim3A_746 : vector<512x1xi32> to vector<512x1xi32>
    %broadcast_in_dim3A_748 = vector.broadcast %broadcast_in_dim3A_747 : vector<512x1xi32> to vector<512x32xi32>
    %select_n3A_749 = arith.select %eq3A_745, %broadcast_in_dim3A_748, %select_n3A_722 : vector<512x32xi1>, vector<512x32xi32>
    %reduce_min3A_750 = arith.constant dense<0x7F800000> : vector<512xf32>
    %reduce_min3A_751 = vector.multi_reduction <minimumf>, %add3A_741, %reduce_min3A_750 [1] : vector<512x1024xf32> to vector<512xf32>
    %reduce_sum3A_752 = vector.shape_cast %reduce_min3A_751 : vector<512xf32> to vector<1x512xf32>
    %reduce_sum3A_753 = arith.constant dense<0.000000e+00> : vector<1xf32>
    %reduce_sum3A_754 = vector.multi_reduction <add>, %reduce_sum3A_752, %reduce_sum3A_753 [1] : vector<1x512xf32> to vector<1xf32>
    %reduce_sum3A_755 = vector.shape_cast %reduce_sum3A_754 : vector<1xf32> to vector<1x1xf32>
    %reduce_sum3A_756 = vector.extract %reduce_sum3A_755[0, 0] : f32 from vector<1x1xf32>
    %add3A_757 = arith.addf %add3A_730, %reduce_sum3A_756 : f32
    %slice3A_758 = vector.extract_strided_slice %add3A_49 {offsets = [0, 1664], sizes = [512, 64], strides = [1, 1]} : vector<512x2048xf32> to vector<512x64xf32>
    %mul3A_759 = arith.mulf %slice3A_758, %slice3A_758 : vector<512x64xf32>
    %reduce_sum3A_760 = arith.constant dense<0.000000e+00> : vector<512xf32>
    %reduce_sum3A_761 = vector.multi_reduction <add>, %mul3A_759, %reduce_sum3A_760 [1] : vector<512x64xf32> to vector<512xf32>
    %broadcast_in_dim3A_762 = vector.shape_cast %reduce_sum3A_761 : vector<512xf32> to vector<512x1xf32>
    %dot_general3A_763 = arith.constant dense<0.000000e+00> : vector<512x1024xf32>
    %dot_general3A_764 = tpu.matmul %slice3A_758, %mul3A_57, %dot_general3A_763 {dimension_numbers = #tpu.dot_dimension_numbers<[1], [0], [0], [1], [0, 0, 1, 1], [], []>, transpose_lhs_hint = false} : vector<512x64xf32>, vector<64x1024xf32>, vector<512x1024xf32> -> vector<512x1024xf32>
    %add3A_765 = vector.broadcast %broadcast_in_dim3A_762 : vector<512x1xf32> to vector<512x1024xf32>
    %add3A_766 = arith.addf %add3A_765, %dot_general3A_764 : vector<512x1024xf32>
    %add3A_767 = vector.broadcast %broadcast_in_dim3A : vector<1x1024xf32> to vector<512x1024xf32>
    %add3A_768 = arith.addf %add3A_766, %add3A_767 : vector<512x1024xf32>
    %argmin3A_769 = tpu.reduce_index %add3A_768 {axis = 1 : i32, kind = #tpu.reduction_kind<arg_min>} : vector<512x1024xf32> -> vector<512xi32>
    %eq3A_770 = arith.constant 26 : i32
    %eq3A_771 = vector.broadcast %eq3A_770 : i32 to vector<512x32xi32>
    %eq3A_772 = arith.cmpi eq, %iota3A, %eq3A_771 : vector<512x32xi32>
    %broadcast_in_dim3A_773 = vector.shape_cast %argmin3A_769 : vector<512xi32> to vector<512x1xi32>
    %broadcast_in_dim3A_774 = vector.shape_cast %broadcast_in_dim3A_773 : vector<512x1xi32> to vector<512x1xi32>
    %broadcast_in_dim3A_775 = vector.broadcast %broadcast_in_dim3A_774 : vector<512x1xi32> to vector<512x32xi32>
    %select_n3A_776 = arith.select %eq3A_772, %broadcast_in_dim3A_775, %select_n3A_749 : vector<512x32xi1>, vector<512x32xi32>
    %reduce_min3A_777 = arith.constant dense<0x7F800000> : vector<512xf32>
    %reduce_min3A_778 = vector.multi_reduction <minimumf>, %add3A_768, %reduce_min3A_777 [1] : vector<512x1024xf32> to vector<512xf32>
    %reduce_sum3A_779 = vector.shape_cast %reduce_min3A_778 : vector<512xf32> to vector<1x512xf32>
    %reduce_sum3A_780 = arith.constant dense<0.000000e+00> : vector<1xf32>
    %reduce_sum3A_781 = vector.multi_reduction <add>, %reduce_sum3A_779, %reduce_sum3A_780 [1] : vector<1x512xf32> to vector<1xf32>
    %reduce_sum3A_782 = vector.shape_cast %reduce_sum3A_781 : vector<1xf32> to vector<1x1xf32>
    %reduce_sum3A_783 = vector.extract %reduce_sum3A_782[0, 0] : f32 from vector<1x1xf32>
    %add3A_784 = arith.addf %add3A_757, %reduce_sum3A_783 : f32
    %slice3A_785 = vector.extract_strided_slice %add3A_49 {offsets = [0, 1728], sizes = [512, 64], strides = [1, 1]} : vector<512x2048xf32> to vector<512x64xf32>
    %mul3A_786 = arith.mulf %slice3A_785, %slice3A_785 : vector<512x64xf32>
    %reduce_sum3A_787 = arith.constant dense<0.000000e+00> : vector<512xf32>
    %reduce_sum3A_788 = vector.multi_reduction <add>, %mul3A_786, %reduce_sum3A_787 [1] : vector<512x64xf32> to vector<512xf32>
    %broadcast_in_dim3A_789 = vector.shape_cast %reduce_sum3A_788 : vector<512xf32> to vector<512x1xf32>
    %dot_general3A_790 = arith.constant dense<0.000000e+00> : vector<512x1024xf32>
    %dot_general3A_791 = tpu.matmul %slice3A_785, %mul3A_57, %dot_general3A_790 {dimension_numbers = #tpu.dot_dimension_numbers<[1], [0], [0], [1], [0, 0, 1, 1], [], []>, transpose_lhs_hint = false} : vector<512x64xf32>, vector<64x1024xf32>, vector<512x1024xf32> -> vector<512x1024xf32>
    %add3A_792 = vector.broadcast %broadcast_in_dim3A_789 : vector<512x1xf32> to vector<512x1024xf32>
    %add3A_793 = arith.addf %add3A_792, %dot_general3A_791 : vector<512x1024xf32>
    %add3A_794 = vector.broadcast %broadcast_in_dim3A : vector<1x1024xf32> to vector<512x1024xf32>
    %add3A_795 = arith.addf %add3A_793, %add3A_794 : vector<512x1024xf32>
    %argmin3A_796 = tpu.reduce_index %add3A_795 {axis = 1 : i32, kind = #tpu.reduction_kind<arg_min>} : vector<512x1024xf32> -> vector<512xi32>
    %eq3A_797 = arith.constant 27 : i32
    %eq3A_798 = vector.broadcast %eq3A_797 : i32 to vector<512x32xi32>
    %eq3A_799 = arith.cmpi eq, %iota3A, %eq3A_798 : vector<512x32xi32>
    %broadcast_in_dim3A_800 = vector.shape_cast %argmin3A_796 : vector<512xi32> to vector<512x1xi32>
    %broadcast_in_dim3A_801 = vector.shape_cast %broadcast_in_dim3A_800 : vector<512x1xi32> to vector<512x1xi32>
    %broadcast_in_dim3A_802 = vector.broadcast %broadcast_in_dim3A_801 : vector<512x1xi32> to vector<512x32xi32>
    %select_n3A_803 = arith.select %eq3A_799, %broadcast_in_dim3A_802, %select_n3A_776 : vector<512x32xi1>, vector<512x32xi32>
    %reduce_min3A_804 = arith.constant dense<0x7F800000> : vector<512xf32>
    %reduce_min3A_805 = vector.multi_reduction <minimumf>, %add3A_795, %reduce_min3A_804 [1] : vector<512x1024xf32> to vector<512xf32>
    %reduce_sum3A_806 = vector.shape_cast %reduce_min3A_805 : vector<512xf32> to vector<1x512xf32>
    %reduce_sum3A_807 = arith.constant dense<0.000000e+00> : vector<1xf32>
    %reduce_sum3A_808 = vector.multi_reduction <add>, %reduce_sum3A_806, %reduce_sum3A_807 [1] : vector<1x512xf32> to vector<1xf32>
    %reduce_sum3A_809 = vector.shape_cast %reduce_sum3A_808 : vector<1xf32> to vector<1x1xf32>
    %reduce_sum3A_810 = vector.extract %reduce_sum3A_809[0, 0] : f32 from vector<1x1xf32>
    %add3A_811 = arith.addf %add3A_784, %reduce_sum3A_810 : f32
    %slice3A_812 = vector.extract_strided_slice %add3A_49 {offsets = [0, 1792], sizes = [512, 64], strides = [1, 1]} : vector<512x2048xf32> to vector<512x64xf32>
    %mul3A_813 = arith.mulf %slice3A_812, %slice3A_812 : vector<512x64xf32>
    %reduce_sum3A_814 = arith.constant dense<0.000000e+00> : vector<512xf32>
    %reduce_sum3A_815 = vector.multi_reduction <add>, %mul3A_813, %reduce_sum3A_814 [1] : vector<512x64xf32> to vector<512xf32>
    %broadcast_in_dim3A_816 = vector.shape_cast %reduce_sum3A_815 : vector<512xf32> to vector<512x1xf32>
    %dot_general3A_817 = arith.constant dense<0.000000e+00> : vector<512x1024xf32>
    %dot_general3A_818 = tpu.matmul %slice3A_812, %mul3A_57, %dot_general3A_817 {dimension_numbers = #tpu.dot_dimension_numbers<[1], [0], [0], [1], [0, 0, 1, 1], [], []>, transpose_lhs_hint = false} : vector<512x64xf32>, vector<64x1024xf32>, vector<512x1024xf32> -> vector<512x1024xf32>
    %add3A_819 = vector.broadcast %broadcast_in_dim3A_816 : vector<512x1xf32> to vector<512x1024xf32>
    %add3A_820 = arith.addf %add3A_819, %dot_general3A_818 : vector<512x1024xf32>
    %add3A_821 = vector.broadcast %broadcast_in_dim3A : vector<1x1024xf32> to vector<512x1024xf32>
    %add3A_822 = arith.addf %add3A_820, %add3A_821 : vector<512x1024xf32>
    %argmin3A_823 = tpu.reduce_index %add3A_822 {axis = 1 : i32, kind = #tpu.reduction_kind<arg_min>} : vector<512x1024xf32> -> vector<512xi32>
    %eq3A_824 = arith.constant 28 : i32
    %eq3A_825 = vector.broadcast %eq3A_824 : i32 to vector<512x32xi32>
    %eq3A_826 = arith.cmpi eq, %iota3A, %eq3A_825 : vector<512x32xi32>
    %broadcast_in_dim3A_827 = vector.shape_cast %argmin3A_823 : vector<512xi32> to vector<512x1xi32>
    %broadcast_in_dim3A_828 = vector.shape_cast %broadcast_in_dim3A_827 : vector<512x1xi32> to vector<512x1xi32>
    %broadcast_in_dim3A_829 = vector.broadcast %broadcast_in_dim3A_828 : vector<512x1xi32> to vector<512x32xi32>
    %select_n3A_830 = arith.select %eq3A_826, %broadcast_in_dim3A_829, %select_n3A_803 : vector<512x32xi1>, vector<512x32xi32>
    %reduce_min3A_831 = arith.constant dense<0x7F800000> : vector<512xf32>
    %reduce_min3A_832 = vector.multi_reduction <minimumf>, %add3A_822, %reduce_min3A_831 [1] : vector<512x1024xf32> to vector<512xf32>
    %reduce_sum3A_833 = vector.shape_cast %reduce_min3A_832 : vector<512xf32> to vector<1x512xf32>
    %reduce_sum3A_834 = arith.constant dense<0.000000e+00> : vector<1xf32>
    %reduce_sum3A_835 = vector.multi_reduction <add>, %reduce_sum3A_833, %reduce_sum3A_834 [1] : vector<1x512xf32> to vector<1xf32>
    %reduce_sum3A_836 = vector.shape_cast %reduce_sum3A_835 : vector<1xf32> to vector<1x1xf32>
    %reduce_sum3A_837 = vector.extract %reduce_sum3A_836[0, 0] : f32 from vector<1x1xf32>
    %add3A_838 = arith.addf %add3A_811, %reduce_sum3A_837 : f32
    %slice3A_839 = vector.extract_strided_slice %add3A_49 {offsets = [0, 1856], sizes = [512, 64], strides = [1, 1]} : vector<512x2048xf32> to vector<512x64xf32>
    %mul3A_840 = arith.mulf %slice3A_839, %slice3A_839 : vector<512x64xf32>
    %reduce_sum3A_841 = arith.constant dense<0.000000e+00> : vector<512xf32>
    %reduce_sum3A_842 = vector.multi_reduction <add>, %mul3A_840, %reduce_sum3A_841 [1] : vector<512x64xf32> to vector<512xf32>
    %broadcast_in_dim3A_843 = vector.shape_cast %reduce_sum3A_842 : vector<512xf32> to vector<512x1xf32>
    %dot_general3A_844 = arith.constant dense<0.000000e+00> : vector<512x1024xf32>
    %dot_general3A_845 = tpu.matmul %slice3A_839, %mul3A_57, %dot_general3A_844 {dimension_numbers = #tpu.dot_dimension_numbers<[1], [0], [0], [1], [0, 0, 1, 1], [], []>, transpose_lhs_hint = false} : vector<512x64xf32>, vector<64x1024xf32>, vector<512x1024xf32> -> vector<512x1024xf32>
    %add3A_846 = vector.broadcast %broadcast_in_dim3A_843 : vector<512x1xf32> to vector<512x1024xf32>
    %add3A_847 = arith.addf %add3A_846, %dot_general3A_845 : vector<512x1024xf32>
    %add3A_848 = vector.broadcast %broadcast_in_dim3A : vector<1x1024xf32> to vector<512x1024xf32>
    %add3A_849 = arith.addf %add3A_847, %add3A_848 : vector<512x1024xf32>
    %argmin3A_850 = tpu.reduce_index %add3A_849 {axis = 1 : i32, kind = #tpu.reduction_kind<arg_min>} : vector<512x1024xf32> -> vector<512xi32>
    %eq3A_851 = arith.constant 29 : i32
    %eq3A_852 = vector.broadcast %eq3A_851 : i32 to vector<512x32xi32>
    %eq3A_853 = arith.cmpi eq, %iota3A, %eq3A_852 : vector<512x32xi32>
    %broadcast_in_dim3A_854 = vector.shape_cast %argmin3A_850 : vector<512xi32> to vector<512x1xi32>
    %broadcast_in_dim3A_855 = vector.shape_cast %broadcast_in_dim3A_854 : vector<512x1xi32> to vector<512x1xi32>
    %broadcast_in_dim3A_856 = vector.broadcast %broadcast_in_dim3A_855 : vector<512x1xi32> to vector<512x32xi32>
    %select_n3A_857 = arith.select %eq3A_853, %broadcast_in_dim3A_856, %select_n3A_830 : vector<512x32xi1>, vector<512x32xi32>
    %reduce_min3A_858 = arith.constant dense<0x7F800000> : vector<512xf32>
    %reduce_min3A_859 = vector.multi_reduction <minimumf>, %add3A_849, %reduce_min3A_858 [1] : vector<512x1024xf32> to vector<512xf32>
    %reduce_sum3A_860 = vector.shape_cast %reduce_min3A_859 : vector<512xf32> to vector<1x512xf32>
    %reduce_sum3A_861 = arith.constant dense<0.000000e+00> : vector<1xf32>
    %reduce_sum3A_862 = vector.multi_reduction <add>, %reduce_sum3A_860, %reduce_sum3A_861 [1] : vector<1x512xf32> to vector<1xf32>
    %reduce_sum3A_863 = vector.shape_cast %reduce_sum3A_862 : vector<1xf32> to vector<1x1xf32>
    %reduce_sum3A_864 = vector.extract %reduce_sum3A_863[0, 0] : f32 from vector<1x1xf32>
    %add3A_865 = arith.addf %add3A_838, %reduce_sum3A_864 : f32
    %slice3A_866 = vector.extract_strided_slice %add3A_49 {offsets = [0, 1920], sizes = [512, 64], strides = [1, 1]} : vector<512x2048xf32> to vector<512x64xf32>
    %mul3A_867 = arith.mulf %slice3A_866, %slice3A_866 : vector<512x64xf32>
    %reduce_sum3A_868 = arith.constant dense<0.000000e+00> : vector<512xf32>
    %reduce_sum3A_869 = vector.multi_reduction <add>, %mul3A_867, %reduce_sum3A_868 [1] : vector<512x64xf32> to vector<512xf32>
    %broadcast_in_dim3A_870 = vector.shape_cast %reduce_sum3A_869 : vector<512xf32> to vector<512x1xf32>
    %dot_general3A_871 = arith.constant dense<0.000000e+00> : vector<512x1024xf32>
    %dot_general3A_872 = tpu.matmul %slice3A_866, %mul3A_57, %dot_general3A_871 {dimension_numbers = #tpu.dot_dimension_numbers<[1], [0], [0], [1], [0, 0, 1, 1], [], []>, transpose_lhs_hint = false} : vector<512x64xf32>, vector<64x1024xf32>, vector<512x1024xf32> -> vector<512x1024xf32>
    %add3A_873 = vector.broadcast %broadcast_in_dim3A_870 : vector<512x1xf32> to vector<512x1024xf32>
    %add3A_874 = arith.addf %add3A_873, %dot_general3A_872 : vector<512x1024xf32>
    %add3A_875 = vector.broadcast %broadcast_in_dim3A : vector<1x1024xf32> to vector<512x1024xf32>
    %add3A_876 = arith.addf %add3A_874, %add3A_875 : vector<512x1024xf32>
    %argmin3A_877 = tpu.reduce_index %add3A_876 {axis = 1 : i32, kind = #tpu.reduction_kind<arg_min>} : vector<512x1024xf32> -> vector<512xi32>
    %eq3A_878 = arith.constant 30 : i32
    %eq3A_879 = vector.broadcast %eq3A_878 : i32 to vector<512x32xi32>
    %eq3A_880 = arith.cmpi eq, %iota3A, %eq3A_879 : vector<512x32xi32>
    %broadcast_in_dim3A_881 = vector.shape_cast %argmin3A_877 : vector<512xi32> to vector<512x1xi32>
    %broadcast_in_dim3A_882 = vector.shape_cast %broadcast_in_dim3A_881 : vector<512x1xi32> to vector<512x1xi32>
    %broadcast_in_dim3A_883 = vector.broadcast %broadcast_in_dim3A_882 : vector<512x1xi32> to vector<512x32xi32>
    %select_n3A_884 = arith.select %eq3A_880, %broadcast_in_dim3A_883, %select_n3A_857 : vector<512x32xi1>, vector<512x32xi32>
    %reduce_min3A_885 = arith.constant dense<0x7F800000> : vector<512xf32>
    %reduce_min3A_886 = vector.multi_reduction <minimumf>, %add3A_876, %reduce_min3A_885 [1] : vector<512x1024xf32> to vector<512xf32>
    %reduce_sum3A_887 = vector.shape_cast %reduce_min3A_886 : vector<512xf32> to vector<1x512xf32>
    %reduce_sum3A_888 = arith.constant dense<0.000000e+00> : vector<1xf32>
    %reduce_sum3A_889 = vector.multi_reduction <add>, %reduce_sum3A_887, %reduce_sum3A_888 [1] : vector<1x512xf32> to vector<1xf32>
    %reduce_sum3A_890 = vector.shape_cast %reduce_sum3A_889 : vector<1xf32> to vector<1x1xf32>
    %reduce_sum3A_891 = vector.extract %reduce_sum3A_890[0, 0] : f32 from vector<1x1xf32>
    %add3A_892 = arith.addf %add3A_865, %reduce_sum3A_891 : f32
    %slice3A_893 = vector.extract_strided_slice %add3A_49 {offsets = [0, 1984], sizes = [512, 64], strides = [1, 1]} : vector<512x2048xf32> to vector<512x64xf32>
    %mul3A_894 = arith.mulf %slice3A_893, %slice3A_893 : vector<512x64xf32>
    %reduce_sum3A_895 = arith.constant dense<0.000000e+00> : vector<512xf32>
    %reduce_sum3A_896 = vector.multi_reduction <add>, %mul3A_894, %reduce_sum3A_895 [1] : vector<512x64xf32> to vector<512xf32>
    %broadcast_in_dim3A_897 = vector.shape_cast %reduce_sum3A_896 : vector<512xf32> to vector<512x1xf32>
    %dot_general3A_898 = arith.constant dense<0.000000e+00> : vector<512x1024xf32>
    %dot_general3A_899 = tpu.matmul %slice3A_893, %mul3A_57, %dot_general3A_898 {dimension_numbers = #tpu.dot_dimension_numbers<[1], [0], [0], [1], [0, 0, 1, 1], [], []>, transpose_lhs_hint = false} : vector<512x64xf32>, vector<64x1024xf32>, vector<512x1024xf32> -> vector<512x1024xf32>
    %add3A_900 = vector.broadcast %broadcast_in_dim3A_897 : vector<512x1xf32> to vector<512x1024xf32>
    %add3A_901 = arith.addf %add3A_900, %dot_general3A_899 : vector<512x1024xf32>
    %add3A_902 = vector.broadcast %broadcast_in_dim3A : vector<1x1024xf32> to vector<512x1024xf32>
    %add3A_903 = arith.addf %add3A_901, %add3A_902 : vector<512x1024xf32>
    %argmin3A_904 = tpu.reduce_index %add3A_903 {axis = 1 : i32, kind = #tpu.reduction_kind<arg_min>} : vector<512x1024xf32> -> vector<512xi32>
    %eq3A_905 = arith.constant 31 : i32
    %eq3A_906 = vector.broadcast %eq3A_905 : i32 to vector<512x32xi32>
    %eq3A_907 = arith.cmpi eq, %iota3A, %eq3A_906 : vector<512x32xi32>
    %broadcast_in_dim3A_908 = vector.shape_cast %argmin3A_904 : vector<512xi32> to vector<512x1xi32>
    %broadcast_in_dim3A_909 = vector.shape_cast %broadcast_in_dim3A_908 : vector<512x1xi32> to vector<512x1xi32>
    %broadcast_in_dim3A_910 = vector.broadcast %broadcast_in_dim3A_909 : vector<512x1xi32> to vector<512x32xi32>
    %select_n3A_911 = arith.select %eq3A_907, %broadcast_in_dim3A_910, %select_n3A_884 : vector<512x32xi1>, vector<512x32xi32>
    %reduce_min3A_912 = arith.constant dense<0x7F800000> : vector<512xf32>
    %reduce_min3A_913 = vector.multi_reduction <minimumf>, %add3A_903, %reduce_min3A_912 [1] : vector<512x1024xf32> to vector<512xf32>
    %reduce_sum3A_914 = vector.shape_cast %reduce_min3A_913 : vector<512xf32> to vector<1x512xf32>
    %reduce_sum3A_915 = arith.constant dense<0.000000e+00> : vector<1xf32>
    %reduce_sum3A_916 = vector.multi_reduction <add>, %reduce_sum3A_914, %reduce_sum3A_915 [1] : vector<1x512xf32> to vector<1xf32>
    %reduce_sum3A_917 = vector.shape_cast %reduce_sum3A_916 : vector<1xf32> to vector<1x1xf32>
    %reduce_sum3A_918 = vector.extract %reduce_sum3A_917[0, 0] : f32 from vector<1x1xf32>
    %add3A_919 = arith.addf %add3A_892, %reduce_sum3A_918 : f32
    %swap3A = arith.constant 0 : index
    %swap3A_920 = arith.constant 0 : index
    %swap3A_921 = vector.load %arg9[%swap3A, %swap3A_920] : memref<512x32xi32, #tpu.memory_space<vmem>>, vector<512x32xi32>
    tpu.vector_store %arg9[%swap3A, %swap3A_920], %select_n3A_911 {strides = array<i32>} : memref<512x32xi32, #tpu.memory_space<vmem>>, vector<512x32xi32>,
    %broadcast_in_dim3A_922 = vector.broadcast %add3A_919 : f32 to vector<1x1x128xf32>
    %swap3A_923 = arith.constant 0 : index
    %swap3A_924 = arith.constant 0 : index
    %swap3A_925 = arith.constant 0 : index
    %swap3A_926 = vector.load %arg10[%swap3A_923, %swap3A_924, %swap3A_925] : memref<1x1x128xf32, #tpu.memory_space<vmem>>, vector<1x1x128xf32>
    tpu.vector_store %arg10[%swap3A_923, %swap3A_924, %swap3A_925], %broadcast_in_dim3A_922 {strides = array<i32>} : memref<1x1x128xf32, #tpu.memory_space<vmem>>, vector<1x1x128xf32>,
    return
  }
  func.func @transform_0(%arg0: i32) -> (i32, i32) {
    %c0_i32 = arith.constant 0 : i32
    %c0_i32_0 = arith.constant 0 : i32
    return %arg0, %c0_i32 : i32, i32
  }
  func.func @transform_1(%arg0: i32) -> (i32, i32) {
    %c0_i32 = arith.constant 0 : i32
    %c0_i32_0 = arith.constant 0 : i32
    %c0_i32_1 = arith.constant 0 : i32
    return %c0_i32, %c0_i32_0 : i32, i32
  }
  func.func @transform_2(%arg0: i32) -> (i32, i32) {
    %c0_i32 = arith.constant 0 : i32
    %c0_i32_0 = arith.constant 0 : i32
    %c0_i32_1 = arith.constant 0 : i32
    return %c0_i32, %c0_i32_0 : i32, i32
  }
  func.func @transform_3(%arg0: i32) -> (i32, i32) {
    %c0_i32 = arith.constant 0 : i32
    %c0_i32_0 = arith.constant 0 : i32
    %c0_i32_1 = arith.constant 0 : i32
    return %c0_i32, %c0_i32_0 : i32, i32
  }
  func.func @transform_4(%arg0: i32) -> (i32, i32) {
    %c0_i32 = arith.constant 0 : i32
    %c0_i32_0 = arith.constant 0 : i32
    %c0_i32_1 = arith.constant 0 : i32
    return %c0_i32, %c0_i32_0 : i32, i32
  }
  func.func @transform_5(%arg0: i32) -> (i32, i32) {
    %c0_i32 = arith.constant 0 : i32
    %c0_i32_0 = arith.constant 0 : i32
    %c0_i32_1 = arith.constant 0 : i32
    return %c0_i32, %c0_i32_0 : i32, i32
  }
  func.func @transform_6(%arg0: i32) -> (i32, i32) {
    %c0_i32 = arith.constant 0 : i32
    %c0_i32_0 = arith.constant 0 : i32
    %c0_i32_1 = arith.constant 0 : i32
    return %c0_i32, %c0_i32_0 : i32, i32
  }
  func.func @transform_7(%arg0: i32) -> (i32, i32) {
    %c0_i32 = arith.constant 0 : i32
    %c0_i32_0 = arith.constant 0 : i32
    %c0_i32_1 = arith.constant 0 : i32
    return %c0_i32, %c0_i32_0 : i32, i32
  }
  func.func @transform_8(%arg0: i32) -> (i32, i32) {
    %c0_i32 = arith.constant 0 : i32
    %c0_i32_0 = arith.constant 0 : i32
    return %arg0, %c0_i32 : i32, i32
  }
  func.func @transform_9(%arg0: i32) -> (i32, i32, i32) {
    %c0_i32 = arith.constant 0 : i32
    %c0_i32_0 = arith.constant 0 : i32
    %c0_i32_1 = arith.constant 0 : i32
    return %arg0, %c0_i32, %c0_i32_0 : i32, i32, i32
  }
}

module attributes {stable_mosaic.version = 14 : i64} {
  func.func @_dec_kernel(%arg0: i32, %arg1: memref<512x4096xf32, #tpu.memory_space<vmem>>, %arg2: memref<4096x512xf32, #tpu.memory_space<vmem>>, %arg3: memref<1x512xf32, #tpu.memory_space<vmem>>, %arg4: memref<512x512xf32, #tpu.memory_space<vmem>>, %arg5: memref<1x512xf32, #tpu.memory_space<vmem>>, %arg6: memref<512x1024xf32, #tpu.memory_space<vmem>>, %arg7: memref<1x1024xf32, #tpu.memory_space<vmem>>, %arg8: memref<512x1024xf32, #tpu.memory_space<vmem>>) attributes {dimension_semantics = [#tpu.dimension_semantics<parallel>], iteration_bounds = array<i64: 8>, scalar_prefetch = 0 : i64, scratch_operands = 0 : i64, tpu.core_type = #tpu.core_type<tc>, window_params = [{transform_indices = @transform_0, window_bounds = array<i64: 512, 4096>}, {pipeline_mode = #tpu.pipeline_mode<synchronous>, transform_indices = @transform_1, window_bounds = array<i64: 4096, 512>}, {pipeline_mode = #tpu.pipeline_mode<synchronous>, transform_indices = @transform_2, window_bounds = array<i64: 1, 512>}, {pipeline_mode = #tpu.pipeline_mode<synchronous>, transform_indices = @transform_3, window_bounds = array<i64: 512, 512>}, {pipeline_mode = #tpu.pipeline_mode<synchronous>, transform_indices = @transform_4, window_bounds = array<i64: 1, 512>}, {pipeline_mode = #tpu.pipeline_mode<synchronous>, transform_indices = @transform_5, window_bounds = array<i64: 512, 1024>}, {pipeline_mode = #tpu.pipeline_mode<synchronous>, transform_indices = @transform_6, window_bounds = array<i64: 1, 1024>}, {transform_indices = @transform_7, window_bounds = array<i64: 512, 1024>}]} {
    %get3A = arith.constant 0 : index
    %get3A_0 = arith.constant 0 : index
    %get3A_1 = vector.load %arg1[%get3A, %get3A_0] : memref<512x4096xf32, #tpu.memory_space<vmem>>, vector<512x4096xf32>
    %get3A_2 = arith.constant 0 : index
    %get3A_3 = arith.constant 0 : index
    %get3A_4 = vector.load %arg2[%get3A_2, %get3A_3] : memref<4096x512xf32, #tpu.memory_space<vmem>>, vector<4096x512xf32>
    %dot_general3A = arith.constant dense<0.000000e+00> : vector<512x512xf32>
    %dot_general3A_5 = tpu.matmul %get3A_1, %get3A_4, %dot_general3A {dimension_numbers = #tpu.dot_dimension_numbers<[1], [0], [0], [1], [0, 0, 1, 1], [], []>, transpose_lhs_hint = false} : vector<512x4096xf32>, vector<4096x512xf32>, vector<512x512xf32> -> vector<512x512xf32>
    %get3A_6 = arith.constant 0 : index
    %get3A_7 = arith.constant 0 : index
    %get3A_8 = vector.load %arg3[%get3A_6, %get3A_7] : memref<1x512xf32, #tpu.memory_space<vmem>>, vector<1x512xf32>
    %add3A = vector.broadcast %get3A_8 : vector<1x512xf32> to vector<512x512xf32>
    %add3A_9 = arith.addf %dot_general3A_5, %add3A : vector<512x512xf32>
    %mul3A = arith.constant 5.000000e-01 : f32
    %mul3A_10 = vector.broadcast %mul3A : f32 to vector<512x512xf32>
    %mul3A_11 = arith.mulf %mul3A_10, %add3A_9 : vector<512x512xf32>
    %mul3A_12 = arith.constant 0.707106769 : f32
    %mul3A_13 = vector.broadcast %mul3A_12 : f32 to vector<512x512xf32>
    %mul3A_14 = arith.mulf %add3A_9, %mul3A_13 : vector<512x512xf32>
    %erf3A = math.erf %mul3A_14 : vector<512x512xf32>
    %add3A_15 = arith.constant 1.000000e+00 : f32
    %add3A_16 = vector.broadcast %add3A_15 : f32 to vector<512x512xf32>
    %add3A_17 = arith.addf %add3A_16, %erf3A : vector<512x512xf32>
    %mul3A_18 = arith.mulf %mul3A_11, %add3A_17 : vector<512x512xf32>
    %get3A_19 = arith.constant 0 : index
    %get3A_20 = arith.constant 0 : index
    %get3A_21 = vector.load %arg4[%get3A_19, %get3A_20] : memref<512x512xf32, #tpu.memory_space<vmem>>, vector<512x512xf32>
    %dot_general3A_22 = arith.constant dense<0.000000e+00> : vector<512x512xf32>
    %dot_general3A_23 = tpu.matmul %mul3A_18, %get3A_21, %dot_general3A_22 {dimension_numbers = #tpu.dot_dimension_numbers<[1], [0], [0], [1], [0, 0, 1, 1], [], []>, transpose_lhs_hint = false} : vector<512x512xf32>, vector<512x512xf32>, vector<512x512xf32> -> vector<512x512xf32>
    %get3A_24 = arith.constant 0 : index
    %get3A_25 = arith.constant 0 : index
    %get3A_26 = vector.load %arg5[%get3A_24, %get3A_25] : memref<1x512xf32, #tpu.memory_space<vmem>>, vector<1x512xf32>
    %add3A_27 = vector.broadcast %get3A_26 : vector<1x512xf32> to vector<512x512xf32>
    %add3A_28 = arith.addf %dot_general3A_23, %add3A_27 : vector<512x512xf32>
    %mul3A_29 = arith.constant 5.000000e-01 : f32
    %mul3A_30 = vector.broadcast %mul3A_29 : f32 to vector<512x512xf32>
    %mul3A_31 = arith.mulf %mul3A_30, %add3A_28 : vector<512x512xf32>
    %mul3A_32 = arith.constant 0.707106769 : f32
    %mul3A_33 = vector.broadcast %mul3A_32 : f32 to vector<512x512xf32>
    %mul3A_34 = arith.mulf %add3A_28, %mul3A_33 : vector<512x512xf32>
    %erf3A_35 = math.erf %mul3A_34 : vector<512x512xf32>
    %add3A_36 = arith.constant 1.000000e+00 : f32
    %add3A_37 = vector.broadcast %add3A_36 : f32 to vector<512x512xf32>
    %add3A_38 = arith.addf %add3A_37, %erf3A_35 : vector<512x512xf32>
    %mul3A_39 = arith.mulf %mul3A_31, %add3A_38 : vector<512x512xf32>
    %get3A_40 = arith.constant 0 : index
    %get3A_41 = arith.constant 0 : index
    %get3A_42 = vector.load %arg6[%get3A_40, %get3A_41] : memref<512x1024xf32, #tpu.memory_space<vmem>>, vector<512x1024xf32>
    %dot_general3A_43 = arith.constant dense<0.000000e+00> : vector<512x1024xf32>
    %dot_general3A_44 = tpu.matmul %mul3A_39, %get3A_42, %dot_general3A_43 {dimension_numbers = #tpu.dot_dimension_numbers<[1], [0], [0], [1], [0, 0, 1, 1], [], []>, transpose_lhs_hint = false} : vector<512x512xf32>, vector<512x1024xf32>, vector<512x1024xf32> -> vector<512x1024xf32>
    %get3A_45 = arith.constant 0 : index
    %get3A_46 = arith.constant 0 : index
    %get3A_47 = vector.load %arg7[%get3A_45, %get3A_46] : memref<1x1024xf32, #tpu.memory_space<vmem>>, vector<1x1024xf32>
    %add3A_48 = vector.broadcast %get3A_47 : vector<1x1024xf32> to vector<512x1024xf32>
    %add3A_49 = arith.addf %dot_general3A_44, %add3A_48 : vector<512x1024xf32>
    %swap3A = arith.constant 0 : index
    %swap3A_50 = arith.constant 0 : index
    %swap3A_51 = vector.load %arg8[%swap3A, %swap3A_50] : memref<512x1024xf32, #tpu.memory_space<vmem>>, vector<512x1024xf32>
    tpu.vector_store %arg8[%swap3A, %swap3A_50], %add3A_49 {strides = array<i32>} : memref<512x1024xf32, #tpu.memory_space<vmem>>, vector<512x1024xf32>,
    return
  }
  func.func @transform_0(%arg0: i32) -> (i32, i32) {
    %c0_i32 = arith.constant 0 : i32
    %c0_i32_0 = arith.constant 0 : i32
    return %arg0, %c0_i32 : i32, i32
  }
  func.func @transform_1(%arg0: i32) -> (i32, i32) {
    %c0_i32 = arith.constant 0 : i32
    %c0_i32_0 = arith.constant 0 : i32
    %c0_i32_1 = arith.constant 0 : i32
    return %c0_i32, %c0_i32_0 : i32, i32
  }
  func.func @transform_2(%arg0: i32) -> (i32, i32) {
    %c0_i32 = arith.constant 0 : i32
    %c0_i32_0 = arith.constant 0 : i32
    %c0_i32_1 = arith.constant 0 : i32
    return %c0_i32, %c0_i32_0 : i32, i32
  }
  func.func @transform_3(%arg0: i32) -> (i32, i32) {
    %c0_i32 = arith.constant 0 : i32
    %c0_i32_0 = arith.constant 0 : i32
    %c0_i32_1 = arith.constant 0 : i32
    return %c0_i32, %c0_i32_0 : i32, i32
  }
  func.func @transform_4(%arg0: i32) -> (i32, i32) {
    %c0_i32 = arith.constant 0 : i32
    %c0_i32_0 = arith.constant 0 : i32
    %c0_i32_1 = arith.constant 0 : i32
    return %c0_i32, %c0_i32_0 : i32, i32
  }
  func.func @transform_5(%arg0: i32) -> (i32, i32) {
    %c0_i32 = arith.constant 0 : i32
    %c0_i32_0 = arith.constant 0 : i32
    %c0_i32_1 = arith.constant 0 : i32
    return %c0_i32, %c0_i32_0 : i32, i32
  }
  func.func @transform_6(%arg0: i32) -> (i32, i32) {
    %c0_i32 = arith.constant 0 : i32
    %c0_i32_0 = arith.constant 0 : i32
    %c0_i32_1 = arith.constant 0 : i32
    return %c0_i32, %c0_i32_0 : i32, i32
  }
  func.func @transform_7(%arg0: i32) -> (i32, i32) {
    %c0_i32 = arith.constant 0 : i32
    %c0_i32_0 = arith.constant 0 : i32
    return %arg0, %c0_i32 : i32, i32
  }
}

</mosaic_0001>

<sc_bundles>
// kernel: kernel.5.cloned.1.call-start
scs
__scs_entry_jumppad:
0x0: {  	(pc) =	sbr.rel $0x88, $3  }
0x1: {  	(tag) =	ssettag $0x0;
	lr =	simm.s32 $0x1  }
0x2: {  	[smem:$0x3F93] =	sst lr;
	_ =	strace $0xD0000000  }
0x3: {  	_ = 	snop  }
0x4: {  	_ = 	snop  }
0x5: {  	_ = 	snop  }
0x6: {  	_ = 	snop  }
0x7: {  	_ = 	snop  }
__scs_overlays_trampoline_lowered:
0x8: {  	[smem:$0x3FA2] =	sst s0  }
0x9: {  	[smem:$0x3FA3] =	sst s1  }
0xa: {  	[smem:$0x3FA4] =	sst s2  }
0xb: {  	[smem:$0x3FA5] =	sst s3  }
0xc: {  	[smem:$0x3FA6] =	sst s4  }
0xd: {  	[smem:$0x3FA7] =	sst s5  }
0xe: {  	[smem:$0x3FA8] =	sst s6  }
0xf: {  	[smem:$0x3FA9] =	sst s7  }
0x10: {  	[smem:$0x3FAA] =	sst s8  }
0x11: {  	[smem:$0x3FAB] =	sst s9;
	s0 =	simm.s32 @!p0 $0x0  }
0x12: {  	s1 =	sld [smem:$0x3F91];
	s0 =	simm.s32 @p0 $0x1  }
0x13: {  	[smem:$0x3FAC] =	sst s0;
	s0 =	simm.s32 @!p1 $0x0  }
0x14: {  	s2 =	sld [smem:$0x3F90];
	s0 =	simm.s32 @p1 $0x1  }
0x15: {  	[smem:$0x3FAD] =	sst s0;
	s0 =	simm.s32 @!p2 $0x0  }
0x16: {  	s3 =	sld [smem:$0x3FDB];
	s0 =	simm.s32 @p2 $0x1  }
0x17: {  	s4 =	simm.s32 $0x1BF5;
	[smem:$0x3FAF] =	sst s0  }
0x18: {  	s0 =	sld [smem:$0x3F92];
	_ =	swait.ge [sflag:s4], $0x0  }
0x19: {  	s7 =	sld [smem:$0x3F93]  }
0x1a: {  	s8 =	sadd.s32 $0xFFFFE003, lr  }
0x1b: {  	s9 =	sadd.s32 $0xFFFFFEF7, lr;
	s5 =	simm.s32 $0xFFFFFFFF;
	p2 =	slt.u32 s8, $0xFFFFF086  }
0x1c: {  	p1 =	slt.u32 s9, $0xF7A;
	s5 =	simm.s32 @!p2 $0x0  }
0x1d: {  	s5 =	simm.s32 @p1 $0x1;
	p0 =	seq.s32 s7, s2  }
0x1e: {  	s7 =	smul.u32 @!p0 $0xF7A, s2;
	p2 =	seq.s32 @!p0 s5, $0x0  }
0x1f: {  	s9 =	smul.u32 $0xF7A, s1;
	s8 =	simm.s32 @!p0 $0x1BF5;
	p2 =	por !p2, p0  }
0x20: {  	[sflag:s8] =	ssyncset.s32 @!p0 $0xFFFFF086;
	s6 =	sadd.s32 @!p0 s3, s7;
	s7 =	simm.s32 @!p0 $0x108  }
0x21: {  	s3 =	sadd.s32 s3, s9;
	s6 =	sadd.s32 @!p0 $0x88, s6;
	s7 =	simm.s32 @p2 $0x1082  }
0x22: {  	[simem:s7], [sflag:s8] =	dma.local @!p0 [hbm:s6], $0xF7A  }
0x23: {  	s9 =	sor.u32 $0xD0000000, s2;
	s6 =	simm.s32 $0x108;
	_ =	swait.ge @!p0 [sflag:s8], $0x0  }
0x24: {  	s3 =	sadd.s32 $0x88, s3;
	s6 =	simm.s32 @!p1 $0x1082;
	[sflag:s4] =	ssyncset.s32 $0xFFFFF086  }
0x25: {  	[simem:s6], [sflag:s4] =	dma.local [hbm:s3], $0xF7A  }
0x26: {  	[smem:$0x3F93] =	sst s1;
	(tag) =	ssettag s2;
	_ =	strace s9  }
0x27: {  	s1 =	sld [smem:$0x3FA3]  }
0x28: {  	s2 =	sld [smem:$0x3FA4]  }
0x29: {  	s4 =	sld [smem:$0x3FA6]  }
0x2a: {  	p0 =	seq.s32 s5, $0x0;
	s5 =	sld [smem:$0x3FA7]  }
0x2b: {  	s6 =	sld [smem:$0x3FA8]  }
0x2c: {  	s7 =	sld [smem:$0x3FA9]  }
0x2d: {  	s3 =	simm.s32 $0x108;
	s8 =	sld [smem:$0x3FAA]  }
0x2e: {  	s3 =	simm.s32 @!p0 $0x1082;
	s9 =	sld [smem:$0x3FAB]  }
0x2f: {  	lr =	sadd.s32 s0, s3;
	s0 =	sld [smem:$0x3FA2]  }
0x30: {  	s3 =	sld [smem:$0x3FA5]  }
0x31: {  	[smem:$0x3FAE] =	sst s10  }
0x32: {  	s10 =	sld [smem:$0x3FAC];
	_ =	sdelay $0x3  }
0x33: {  	p0 =	seq.s32 s10, $0x1;
	s10 =	sld [smem:$0x3FAE];
	_ =	sdelay $0x3  }
0x34: {  	[smem:$0x3FAE] =	sst s10  }
0x35: {  	s10 =	sld [smem:$0x3FAD];
	_ =	sdelay $0x3  }
0x36: {  	p1 =	seq.s32 s10, $0x1;
	s10 =	sld [smem:$0x3FAE];
	_ =	sdelay $0x3  }
0x37: {  	[smem:$0x3FAE] =	sst s10  }
0x38: {  	s10 =	sld [smem:$0x3FAF]  }
0x39: {  	_ = 	snop;
	(pc) =	sbr.ind lr, $3  }
0x3a: {  	_ = 	snop  }
0x3b: {  	_ = 	snop  }
0x3c: {  	p2 =	seq.s32 s10, $0x1;
	s10 =	sld [smem:$0x3FAE]  }
0x3d: {  	_ =	shalt  }
0x3e: {  	_ =	shalt  }
0x3f: {  	_ =	shalt  }
0x40: {  	_ =	shalt  }
0x41: {  	_ =	shalt  }
0x42: {  	_ =	shalt  }
0x43: {  	_ =	shalt  }
0x44: {  	_ =	shalt  }
0x45: {  	_ =	shalt  }
0x46: {  	_ =	shalt  }
0x47: {  	_ =	shalt  }
0x48: {  	_ =	shalt  }
0x49: {  	_ =	shalt  }
0x4a: {  	_ =	shalt  }
0x4b: {  	_ =	shalt  }
0x4c: {  	_ =	shalt  }
0x4d: {  	_ =	shalt  }
0x4e: {  	_ =	shalt  }
0x4f: {  	_ =	shalt  }
0x50: {  	_ =	shalt  }
0x51: {  	_ =	shalt  }
0x52: {  	_ =	shalt  }
0x53: {  	_ =	shalt  }
0x54: {  	_ =	shalt  }
0x55: {  	_ =	shalt  }
0x56: {  	_ =	shalt  }
0x57: {  	_ =	shalt  }
0x58: {  	_ =	shalt  }
0x59: {  	_ =	shalt  }
0x5a: {  	_ =	shalt  }
0x5b: {  	_ =	shalt  }
0x5c: {  	_ =	shalt  }
0x5d: {  	_ =	shalt  }
0x5e: {  	_ =	shalt  }
0x5f: {  	_ =	shalt  }
0x60: {  	_ =	shalt  }
0x61: {  	_ =	shalt  }
0x62: {  	_ =	shalt  }
0x63: {  	_ =	shalt  }
0x64: {  	_ =	shalt  }
0x65: {  	_ =	shalt  }
0x66: {  	_ =	shalt  }
0x67: {  	_ =	shalt  }
0x68: {  	_ =	shalt  }
0x69: {  	_ =	shalt  }
0x6a: {  	_ =	shalt  }
0x6b: {  	_ =	shalt  }
0x6c: {  	_ =	shalt  }
0x6d: {  	_ =	shalt  }
0x6e: {  	_ =	shalt  }
0x6f: {  	_ =	shalt  }
0x70: {  	_ =	shalt  }
0x71: {  	_ =	shalt  }
0x72: {  	_ =	shalt  }
0x73: {  	_ =	shalt  }
0x74: {  	_ =	shalt  }
0x75: {  	_ =	shalt  }
0x76: {  	_ =	shalt  }
0x77: {  	_ =	shalt  }
0x78: {  	_ =	shalt  }
0x79: {  	_ =	shalt  }
0x7a: {  	_ =	shalt  }
0x7b: {  	_ =	shalt  }
0x7c: {  	_ =	shalt  }
0x7d: {  	_ =	shalt  }
0x7e: {  	_ =	shalt  }
0x7f: {  	_ =	shalt  }
0x80: {  	_ =	shalt  }
0x81: {  	_ =	shalt  }
0x82: {  	_ =	shalt  }
0x83: {  	_ =	shalt  }
0x84: {  	_ =	shalt  }
0x85: {  	_ =	shalt  }
0x86: {  	_ =	shalt  }
0x87: {  	_ =	shalt  }
.Lfunc_end0:
.L_simem_size_0:
called_computation_lowered:
.L_overlay_start_0:
0x88: {  	s2 =	sld [smem:$0x3FD9]  }
0x89: {  	s3 =	sld [smem:$0x3FFE];
	_ =	sdelay $0x1  }
0x8a: {  	s1 =	srdreg.scid  }
0x8b: {  	s0 =	sand.u32 $0x1, s1  }
0x8c: {  	s14 =	sshll.u32 s0, $0xA;
	s2 =	sadd.s32 s3, s2  }
0x8d: {  	s2 =	sadd.s32 s2, s14  }
0x8e: {  	[smem:$0x3FBA] =	sst s2  }
0x8f: {  	_ = 	snop  }
0x90: {  	s2 =	sld [smem:$0x3FD0];
	_ =	sdelay $0x2  }
0x91: {  	s15 =	simm.s32 $0xA;
	s4 =	simm.s32 $0x10  }
0x92: {  	[smem:s4], [sflag:s15] =	dma.local [hbm:s2], $0x1  }
0x93: {  	_ =	swait.eq [sflag:s15], $0x1  }
0x94: {  	[sflag:s15] =	ssyncset.done $0x0  }
0x95: {  	[sflag:s15] =	ssyncadd.s32 $0xFFFFFFFF  }
0x96: {  	s16 =	sld [smem:$0x10];
	(tm) =	ssettm $0x1  }
0x97: {  	s17 =	sld [smem:$0x3FFB];
	_ =	sdelay $0x3  }
0x98: {  	_ =	strace s17  }
0x99: {  	s3 =	sld [smem:$0x3FFC];
	_ =	sdelay $0x3  }
0x9a: {  	_ =	strace s3  }
0x9b: {  	s3 =	sld [smem:$0x3FFD];
	_ =	sdelay $0x3  }
0x9c: {  	_ =	strace s3  }
0x9d: {  	_ =	strace $0x8FFFFFFF  }
0x9e: {  	s18 =	sld [smem:$0x3FDB];
	_ =	sdelay $0x1  }
0x9f: {  	s19 =	simm.s32 $_scs_section_size  }
0xa0: {  	s5 =	simm.s32 $_size__tile_overlayer_lowered;
	s6 =	simm.s32 $_tile_overlayer_lowered  }
0xa1: {  	s22 =	simm.s32 $0x1BFF;
	s21 =	sshll.u32 s6, $0x1;
	s3 =	sadd.s32 s19, s18  }
0xa2: {  	s7 =	simm.s32 $0x0;
	s20 =	sshll.u32 s5, $0x1;
	s5 =	sadd.s32 s21, s3  }
0xa3: {  	[timem:s7], [sflag:s22] =	dma.local [hbm:s5], s20  }
0xa4: {  	_ =	swait.ge [sflag:s22], s20  }
0xa5: {  	s4 =	ssub.s32 $0x0, s20;
	[sflag:s22] =	ssyncset.done $0x0  }
0xa6: {  	[sflag:s22] =	ssyncadd.s32 s4;
	_ =	sdelay $0x1  }
0xa7: {  	s23 =	simm.s32 $0x1B8B  }
0xa8: {  	_ =	swait.ge [sflag:s23], $0x1  }
0xa9: {  	[sflag:s23] =	ssyncset.done $0x0  }
0xaa: {  	s25 =	simm.s32 $0x1B8E;
	s24 =	sld [smem:$0x3FFE];
	[sflag:s23] =	ssyncadd.s32 $0xFFFFFFFF  }
0xab: {  	s26 =	simm.s32 $execute0_lowered;
	[smem:$0x3FD2] =	sst s25  }
0xac: {  	s5 =	sshll.u32 s26, $0x1;
	_ =	strace $0x80000046;
	[dreg:$0x1] =	wrdreg $0xFFFFFFFF  }
0xad: {  	s28 =	simm.s32 $_size_execute0_lowered;
	s3 =	sadd.s32 s3, s5;
	[dreg:$0x0] =	wrdreg $0x0  }
0xae: {  	s5 =	sshll.u32 s28, $0x1;
	[dreg:$0x2] =	wrdreg s3  }
0xaf: {  	[dreg:$0x3] =	wrdreg s5  }
0xb0: {  	[dreg:$0x4] =	wrdreg $0xC0  }
0xb1: {  	_ =	task [dreg:s7], $0x5FFFF  }
0xb2: {  	[dreg:$0x1] =	wrdreg $0xFFFFFFFF  }
0xb3: {  	[dreg:$0x0] =	wrdreg $0x60  }
0xb4: {  	[dreg:$0x2] =	wrdreg s16  }
0xb5: {  	[dreg:$0x3] =	wrdreg s24  }
0xb6: {  	[dreg:$0x4] =	wrdreg $0x9  }
0xb7: {  	_ =	task.clear_ibuf [dreg:s7], $0x5FFFF;
	_ =	strace $0x90000046  }
0xb8: {  	s29 =	simm.s32 $0x9;
	_ =	strace $0x80000048  }
0xb9: {  	_ =	swait.ge [sflag:s29], $0x1  }
0xba: {  	[sflag:s29] =	ssyncadd.s32 $0xFFFFFFFF  }
0xbb: {  	_ =	strace $0x90000048  }
0xbc: {  	_ =	sfence  }
0xbd: {  	s30 =	sld [smem:$0x0];
	_ =	sdelay $0x2  }
0xbe: {  	s31 =	sshll.u32 s1, $0xD;
	s1 =	sshrl.u32 s1, $0x2  }
0xbf: {  	s3 =	sand.u32 $0x4000, s31;
	s1 =	sadd.s32 s1, s30  }
0xc0: {  	s0 =	sor.u32 s3, s0;
	s1 =	sshll.u32 s1, $0x11  }
0xc1: {  	s0 =	sor.u32 s1, s0  }
0xc2: {  	s0 =	sadd.s32 $0x8F2B, s0  }
0xc3: {  	[sflag:s0] =	ssyncadd.remote.s32 $0x1  }
0xc4: {  	_ =	sfence.sel $0xFFFF  }
0xc5: {  	[dreg:$0x0] =	wrdreg $0xFFFFFFFF;
	(pc) =	sbr.abs _section_cstart, $3  }
0xc6: {  	[dreg:$0x1] =	wrdreg $0xFFFFFFFF  }
0xc7: {  	_ =	task.clear_ibuf [dreg:s7], $0x2FFFF;
	_ =	strace $0x9FFFFFFF  }
0xc8: {  	(tm) =	ssettm $0x7FFFFFFF  }
0xc9: {  	_ =	shalt  }
tec
execute0_lowered:
.L_overlay_start_1:
0x0: {  	(tag) =	ssettag $0x1  }
0x1: {  	s1 =	srdreg.scid  }
0x2: {  	s2 =	rddreg [dreg:$0x0];
	s0 =	stileid.u32;
	s22 =	sand.u32 $0x1, s1  }
0x3: {  	s8 =	rddreg [dreg:$0x1];
	s4 =	sshll.u32 s0, $0xD;
	s5 =	sshll.u32 s22, $0xC  }
0x4: {  	s3 =	simm.s32 $0x0;
	s1 =	rddreg [dreg:$0x2];
	s24 =	sor.u32 s5, s4  }
0x5: {  	[smem:$0x7FF] =	sst s3;
	s21 =	sadd.s32 $0x1C00, s8;
	s4 =	sshrl.u32 s24, $0x3  }
0x6: {  	_ =	strace $0x80000047;
	s5 =	sadd.s32 s21, s4;
	s4 =	simm.s32 $0x2  }
0x7: {  	[tilespmem:s3], [sflag:$0x2] =	stream.linear.gather [hbm4b:s5+s3], $0x200, $0x38;
	[tilespmem:$0x10200] =	vst v63  }
0x8: {  	_ =	swait.ge [sflag:s4], $0x200  }
0x9: {  	[sflag:s4] =	ssyncset.done $0x0  }
0xa: {  	s6 =	simm.s32 $0x200;
	s7 =	simm.s32 $0x1;
	[sflag:s4] =	ssyncadd.s32 $0xFFFFFE00  }
0xb: {  	[tilespmem:s6], [sflag:$0x1] =	stream.indirect.gather [hbm4b:s2+s6], $0x80, s3, s6, $0xb8;
	[tilespmem:$0x10200] =	vst v63  }
0xc: {  	_ =	swait.ge [sflag:s7], $0x10000  }
0xd: {  	s23 =	sadd.s32 $0x5C00, s8;
	s28 =	sshll.u32 s24, $0x4;
	[sflag:s7] =	ssyncset.done $0x0  }
0xe: {  	s8 =	sadd.s32 s23, s28;
	[sflag:s7] =	ssyncadd.s32 $0xFFFF0000  }
0xf: {  	[hbm4b:s8+s3] =	stream.linear.scatter [tilespmem:s6], [sflag:$0x2], $0x10000, $0x38;
	[tilespmem:$0x10200] =	vst v63  }
0x10: {  	s10 =	sor.u32 $0x200, s24;
	_ =	swait.ge [sflag:s4], $0x10000  }
0x11: {  	s9 =	sshrl.u32 s10, $0x3;
	[sflag:s4] =	ssyncset.done $0x0  }
0x12: {  	s9 =	sadd.s32 s21, s9;
	[sflag:s4] =	ssyncadd.s32 $0xFFFF0000  }
0x13: {  	[tilespmem:s3], [sflag:$0x2] =	stream.linear.gather [hbm4b:s9+s3], $0x200, $0x38;
	[tilespmem:$0x10200] =	vst v63  }
0x14: {  	_ =	swait.ge [sflag:s4], $0x200  }
0x15: {  	[sflag:s4] =	ssyncset.done $0x0  }
0x16: {  	[sflag:s4] =	ssyncadd.s32 $0xFFFFFE00  }
0x17: {  	[tilespmem:s6], [sflag:$0x1] =	stream.indirect.gather [hbm4b:s2+s6], $0x80, s3, s6, $0xb8;
	[tilespmem:$0x10200] =	vst v63  }
0x18: {  	_ =	swait.ge [sflag:s7], $0x10000  }
0x19: {  	s10 =	sshll.u32 s10, $0x4;
	[sflag:s7] =	ssyncset.done $0x0  }
0x1a: {  	s10 =	sadd.s32 s23, s10;
	[sflag:s7] =	ssyncadd.s32 $0xFFFF0000  }
0x1b: {  	[hbm4b:s10+s3] =	stream.linear.scatter [tilespmem:s6], [sflag:$0x2], $0x10000, $0x38;
	[tilespmem:$0x10200] =	vst v63  }
0x1c: {  	s12 =	sor.u32 $0x400, s24;
	_ =	swait.ge [sflag:s4], $0x10000  }
0x1d: {  	s11 =	sshrl.u32 s12, $0x3;
	[sflag:s4] =	ssyncset.done $0x0  }
0x1e: {  	s11 =	sadd.s32 s21, s11;
	[sflag:s4] =	ssyncadd.s32 $0xFFFF0000  }
0x1f: {  	[tilespmem:s3], [sflag:$0x2] =	stream.linear.gather [hbm4b:s11+s3], $0x200, $0x38;
	[tilespmem:$0x10200] =	vst v63  }
0x20: {  	_ =	swait.ge [sflag:s4], $0x200  }
0x21: {  	[sflag:s4] =	ssyncset.done $0x0  }
0x22: {  	[sflag:s4] =	ssyncadd.s32 $0xFFFFFE00  }
0x23: {  	[tilespmem:s6], [sflag:$0x1] =	stream.indirect.gather [hbm4b:s2+s6], $0x80, s3, s6, $0xb8;
	[tilespmem:$0x10200] =	vst v63  }
0x24: {  	_ =	swait.ge [sflag:s7], $0x10000  }
0x25: {  	s12 =	sshll.u32 s12, $0x4;
	[sflag:s7] =	ssyncset.done $0x0  }
0x26: {  	s12 =	sadd.s32 s23, s12;
	[sflag:s7] =	ssyncadd.s32 $0xFFFF0000  }
0x27: {  	[hbm4b:s12+s3] =	stream.linear.scatter [tilespmem:s6], [sflag:$0x2], $0x10000, $0x38;
	[tilespmem:$0x10200] =	vst v63  }
0x28: {  	s14 =	sor.u32 $0x600, s24;
	_ =	swait.ge [sflag:s4], $0x10000  }
0x29: {  	s13 =	sshrl.u32 s14, $0x3;
	[sflag:s4] =	ssyncset.done $0x0  }
0x2a: {  	s13 =	sadd.s32 s21, s13;
	[sflag:s4] =	ssyncadd.s32 $0xFFFF0000  }
0x2b: {  	[tilespmem:s3], [sflag:$0x2] =	stream.linear.gather [hbm4b:s13+s3], $0x200, $0x38;
	[tilespmem:$0x10200] =	vst v63  }
0x2c: {  	_ =	swait.ge [sflag:s4], $0x200  }
0x2d: {  	[sflag:s4] =	ssyncset.done $0x0  }
0x2e: {  	[sflag:s4] =	ssyncadd.s32 $0xFFFFFE00  }
0x2f: {  	[tilespmem:s6], [sflag:$0x1] =	stream.indirect.gather [hbm4b:s2+s6], $0x80, s3, s6, $0xb8;
	[tilespmem:$0x10200] =	vst v63  }
0x30: {  	_ =	swait.ge [sflag:s7], $0x10000  }
0x31: {  	s14 =	sshll.u32 s14, $0x4;
	[sflag:s7] =	ssyncset.done $0x0  }
0x32: {  	s14 =	sadd.s32 s23, s14;
	[sflag:s7] =	ssyncadd.s32 $0xFFFF0000  }
0x33: {  	[hbm4b:s14+s3] =	stream.linear.scatter [tilespmem:s6], [sflag:$0x2], $0x10000, $0x38;
	[tilespmem:$0x10200] =	vst v63  }
0x34: {  	s16 =	sor.u32 $0x800, s24;
	_ =	swait.ge [sflag:s4], $0x10000  }
0x35: {  	s15 =	sshrl.u32 s16, $0x3;
	[sflag:s4] =	ssyncset.done $0x0  }
0x36: {  	s15 =	sadd.s32 s21, s15;
	[sflag:s4] =	ssyncadd.s32 $0xFFFF0000  }
0x37: {  	[tilespmem:s3], [sflag:$0x2] =	stream.linear.gather [hbm4b:s15+s3], $0x200, $0x38;
	[tilespmem:$0x10200] =	vst v63  }
0x38: {  	_ =	swait.ge [sflag:s4], $0x200  }
0x39: {  	[sflag:s4] =	ssyncset.done $0x0  }
0x3a: {  	[sflag:s4] =	ssyncadd.s32 $0xFFFFFE00  }
0x3b: {  	[tilespmem:s6], [sflag:$0x1] =	stream.indirect.gather [hbm4b:s2+s6], $0x80, s3, s6, $0xb8;
	[tilespmem:$0x10200] =	vst v63  }
0x3c: {  	_ =	swait.ge [sflag:s7], $0x10000  }
0x3d: {  	s16 =	sshll.u32 s16, $0x4;
	[sflag:s7] =	ssyncset.done $0x0  }
0x3e: {  	s16 =	sadd.s32 s23, s16;
	[sflag:s7] =	ssyncadd.s32 $0xFFFF0000  }
0x3f: {  	[hbm4b:s16+s3] =	stream.linear.scatter [tilespmem:s6], [sflag:$0x2], $0x10000, $0x38;
	[tilespmem:$0x10200] =	vst v63  }
0x40: {  	s18 =	sor.u32 $0xA00, s24;
	_ =	swait.ge [sflag:s4], $0x10000  }
0x41: {  	s17 =	sshrl.u32 s18, $0x3;
	[sflag:s4] =	ssyncset.done $0x0  }
0x42: {  	s17 =	sadd.s32 s21, s17;
	[sflag:s4] =	ssyncadd.s32 $0xFFFF0000  }
0x43: {  	[tilespmem:s3], [sflag:$0x2] =	stream.linear.gather [hbm4b:s17+s3], $0x200, $0x38;
	[tilespmem:$0x10200] =	vst v63  }
0x44: {  	_ =	swait.ge [sflag:s4], $0x200  }
0x45: {  	[sflag:s4] =	ssyncset.done $0x0  }
0x46: {  	[sflag:s4] =	ssyncadd.s32 $0xFFFFFE00  }
0x47: {  	[tilespmem:s6], [sflag:$0x1] =	stream.indirect.gather [hbm4b:s2+s6], $0x80, s3, s6, $0xb8;
	[tilespmem:$0x10200] =	vst v63  }
0x48: {  	_ =	swait.ge [sflag:s7], $0x10000  }
0x49: {  	s18 =	sshll.u32 s18, $0x4;
	[sflag:s7] =	ssyncset.done $0x0  }
0x4a: {  	s18 =	sadd.s32 s23, s18;
	[sflag:s7] =	ssyncadd.s32 $0xFFFF0000  }
0x4b: {  	[hbm4b:s18+s3] =	stream.linear.scatter [tilespmem:s6], [sflag:$0x2], $0x10000, $0x38;
	[tilespmem:$0x10200] =	vst v63  }
0x4c: {  	s20 =	sor.u32 $0xC00, s24;
	_ =	swait.ge [sflag:s4], $0x10000  }
0x4d: {  	s19 =	sshrl.u32 s20, $0x3;
	[sflag:s4] =	ssyncset.done $0x0  }
0x4e: {  	s19 =	sadd.s32 s21, s19;
	[sflag:s4] =	ssyncadd.s32 $0xFFFF0000  }
0x4f: {  	[tilespmem:s3], [sflag:$0x2] =	stream.linear.gather [hbm4b:s19+s3], $0x200, $0x38;
	[tilespmem:$0x10200] =	vst v63  }
0x50: {  	_ =	swait.ge [sflag:s4], $0x200  }
0x51: {  	[sflag:s4] =	ssyncset.done $0x0  }
0x52: {  	[sflag:s4] =	ssyncadd.s32 $0xFFFFFE00  }
0x53: {  	[tilespmem:s6], [sflag:$0x1] =	stream.indirect.gather [hbm4b:s2+s6], $0x80, s3, s6, $0xb8;
	[tilespmem:$0x10200] =	vst v63  }
0x54: {  	_ =	swait.ge [sflag:s7], $0x10000  }
0x55: {  	s20 =	sshll.u32 s20, $0x4;
	[sflag:s7] =	ssyncset.done $0x0  }
0x56: {  	s20 =	sadd.s32 s23, s20;
	[sflag:s7] =	ssyncadd.s32 $0xFFFF0000  }
0x57: {  	[hbm4b:s20+s3] =	stream.linear.scatter [tilespmem:s6], [sflag:$0x2], $0x10000, $0x38;
	[tilespmem:$0x10200] =	vst v63  }
0x58: {  	s24 =	sor.u32 $0xE00, s24;
	_ =	swait.ge [sflag:s4], $0x10000  }
0x59: {  	s25 =	sshrl.u32 s24, $0x3;
	[sflag:s4] =	ssyncset.done $0x0  }
0x5a: {  	s22 =	ssub.s32 $0x2, s22;
	s21 =	sadd.s32 s21, s25;
	[sflag:s4] =	ssyncadd.s32 $0xFFFF0000  }
0x5b: {  	[tilespmem:s3], [sflag:$0x2] =	stream.linear.gather [hbm4b:s21+s3], $0x200, $0x38;
	[tilespmem:$0x10200] =	vst v63  }
0x5c: {  	s29 =	sshrl.u32 s22, $0x1;
	_ =	swait.ge [sflag:s4], $0x200  }
0x5d: {  	s25 =	ssub.s32 s22, s29;
	[sflag:s4] =	ssyncset.done $0x0  }
0x5e: {  	s31 =	smax.u32 s25, $0x1;
	[sflag:s4] =	ssyncadd.s32 $0xFFFFFE00  }
0x5f: {  	[tilespmem:s6], [sflag:$0x1] =	stream.indirect.gather [hbm4b:s2+s6], $0x80, s3, s6, $0xb8;
	[tilespmem:$0x10200] =	vst v63  }
0x60: {  	p0 =	sne.s32 s31, $0x1;
	_ =	swait.ge [sflag:s7], $0x10000  }
.Ltmp0:
0x61: {  	s30 =	sshll.u32 s24, $0x4;
	[sflag:s7] =	ssyncset.done $0x0;
	(pc) =	sbr.rel @!p0 .LBB2_2-.Ltmp0, $4  }
0x62: {  	s22 =	sadd.s32 s23, s30;
	[sflag:s7] =	ssyncadd.s32 $0xFFFF0000  }
0x63: {  	[hbm4b:s22+s3] =	stream.linear.scatter [tilespmem:s6], [sflag:$0x2], $0x10000, $0x38;
	[tilespmem:$0x10200] =	vst v63  }
0x64: {  	_ =	swait.ge [sflag:s4], $0x10000  }
0x65: {  	s23 =	sadd.s32 $0xFFFFFFFF, s31;
	[sflag:s4] =	ssyncset.done $0x0  }
.LBB2_1:
0x66: {  	p0 =	sne.s32 s23, $0x1;
	s23 =	sadd.s32 $0xFFFFFFFF, s23;
	[sflag:s4] =	ssyncadd.s32 $0xFFFF0000  }
0x67: {  	[tilespmem:s3], [sflag:$0x2] =	stream.linear.gather [hbm4b:s5+s3], $0x200, $0x38;
	[tilespmem:$0x10200] =	vst v63  }
0x68: {  	_ =	swait.ge [sflag:s4], $0x200  }
0x69: {  	[sflag:s4] =	ssyncset.done $0x0  }
0x6a: {  	[sflag:s4] =	ssyncadd.s32 $0xFFFFFE00  }
0x6b: {  	[tilespmem:s6], [sflag:$0x1] =	stream.indirect.gather [hbm4b:s2+s6], $0x80, s3, s6, $0xb8;
	[tilespmem:$0x10200] =	vst v63  }
0x6c: {  	_ =	swait.ge [sflag:s7], $0x10000  }
0x6d: {  	[sflag:s7] =	ssyncset.done $0x0  }
0x6e: {  	[sflag:s7] =	ssyncadd.s32 $0xFFFF0000  }
0x6f: {  	[hbm4b:s8+s3] =	stream.linear.scatter [tilespmem:s6], [sflag:$0x2], $0x10000, $0x38;
	[tilespmem:$0x10200] =	vst v63  }
0x70: {  	_ =	swait.ge [sflag:s4], $0x10000  }
0x71: {  	[sflag:s4] =	ssyncset.done $0x0  }
0x72: {  	[sflag:s4] =	ssyncadd.s32 $0xFFFF0000  }
0x73: {  	[tilespmem:s3], [sflag:$0x2] =	stream.linear.gather [hbm4b:s9+s3], $0x200, $0x38;
	[tilespmem:$0x10200] =	vst v63  }
0x74: {  	_ =	swait.ge [sflag:s4], $0x200  }
0x75: {  	[sflag:s4] =	ssyncset.done $0x0  }
0x76: {  	[sflag:s4] =	ssyncadd.s32 $0xFFFFFE00  }
0x77: {  	[tilespmem:s6], [sflag:$0x1] =	stream.indirect.gather [hbm4b:s2+s6], $0x80, s3, s6, $0xb8;
	[tilespmem:$0x10200] =	vst v63  }
0x78: {  	_ =	swait.ge [sflag:s7], $0x10000  }
0x79: {  	[sflag:s7] =	ssyncset.done $0x0  }
0x7a: {  	[sflag:s7] =	ssyncadd.s32 $0xFFFF0000  }
0x7b: {  	[hbm4b:s10+s3] =	stream.linear.scatter [tilespmem:s6], [sflag:$0x2], $0x10000, $0x38;
	[tilespmem:$0x10200] =	vst v63  }
0x7c: {  	_ =	swait.ge [sflag:s4], $0x10000  }
0x7d: {  	[sflag:s4] =	ssyncset.done $0x0  }
0x7e: {  	[sflag:s4] =	ssyncadd.s32 $0xFFFF0000  }
0x7f: {  	[tilespmem:s3], [sflag:$0x2] =	stream.linear.gather [hbm4b:s11+s3], $0x200, $0x38;
	[tilespmem:$0x10200] =	vst v63  }
0x80: {  	_ =	swait.ge [sflag:s4], $0x200  }
0x81: {  	[sflag:s4] =	ssyncset.done $0x0  }
0x82: {  	[sflag:s4] =	ssyncadd.s32 $0xFFFFFE00  }
0x83: {  	[tilespmem:s6], [sflag:$0x1] =	stream.indirect.gather [hbm4b:s2+s6], $0x80, s3, s6, $0xb8;
	[tilespmem:$0x10200] =	vst v63  }
0x84: {  	_ =	swait.ge [sflag:s7], $0x10000  }
0x85: {  	[sflag:s7] =	ssyncset.done $0x0  }
0x86: {  	[sflag:s7] =	ssyncadd.s32 $0xFFFF0000  }
0x87: {  	[hbm4b:s12+s3] =	stream.linear.scatter [tilespmem:s6], [sflag:$0x2], $0x10000, $0x38;
	[tilespmem:$0x10200] =	vst v63  }
0x88: {  	_ =	swait.ge [sflag:s4], $0x10000  }
0x89: {  	[sflag:s4] =	ssyncset.done $0x0  }
0x8a: {  	[sflag:s4] =	ssyncadd.s32 $0xFFFF0000  }
0x8b: {  	[tilespmem:s3], [sflag:$0x2] =	stream.linear.gather [hbm4b:s13+s3], $0x200, $0x38;
	[tilespmem:$0x10200] =	vst v63  }
0x8c: {  	_ =	swait.ge [sflag:s4], $0x200  }
0x8d: {  	[sflag:s4] =	ssyncset.done $0x0  }
0x8e: {  	[sflag:s4] =	ssyncadd.s32 $0xFFFFFE00  }
0x8f: {  	[tilespmem:s6], [sflag:$0x1] =	stream.indirect.gather [hbm4b:s2+s6], $0x80, s3, s6, $0xb8;
	[tilespmem:$0x10200] =	vst v63  }
0x90: {  	_ =	swait.ge [sflag:s7], $0x10000  }
0x91: {  	[sflag:s7] =	ssyncset.done $0x0  }
0x92: {  	[sflag:s7] =	ssyncadd.s32 $0xFFFF0000  }
0x93: {  	[hbm4b:s14+s3] =	stream.linear.scatter [tilespmem:s6], [sflag:$0x2], $0x10000, $0x38;
	[tilespmem:$0x10200] =	vst v63  }
0x94: {  	_ =	swait.ge [sflag:s4], $0x10000  }
0x95: {  	[sflag:s4] =	ssyncset.done $0x0  }
0x96: {  	[sflag:s4] =	ssyncadd.s32 $0xFFFF0000  }
0x97: {  	[tilespmem:s3], [sflag:$0x2] =	stream.linear.gather [hbm4b:s15+s3], $0x200, $0x38;
	[tilespmem:$0x10200] =	vst v63  }
0x98: {  	_ =	swait.ge [sflag:s4], $0x200  }
0x99: {  	[sflag:s4] =	ssyncset.done $0x0  }
0x9a: {  	[sflag:s4] =	ssyncadd.s32 $0xFFFFFE00  }
0x9b: {  	[tilespmem:s6], [sflag:$0x1] =	stream.indirect.gather [hbm4b:s2+s6], $0x80, s3, s6, $0xb8;
	[tilespmem:$0x10200] =	vst v63  }
0x9c: {  	_ =	swait.ge [sflag:s7], $0x10000  }
0x9d: {  	[sflag:s7] =	ssyncset.done $0x0  }
0x9e: {  	[sflag:s7] =	ssyncadd.s32 $0xFFFF0000  }
0x9f: {  	[hbm4b:s16+s3] =	stream.linear.scatter [tilespmem:s6], [sflag:$0x2], $0x10000, $0x38;
	[tilespmem:$0x10200] =	vst v63  }
0xa0: {  	_ =	swait.ge [sflag:s4], $0x10000  }
0xa1: {  	[sflag:s4] =	ssyncset.done $0x0  }
0xa2: {  	[sflag:s4] =	ssyncadd.s32 $0xFFFF0000  }
0xa3: {  	[tilespmem:s3], [sflag:$0x2] =	stream.linear.gather [hbm4b:s17+s3], $0x200, $0x38;
	[tilespmem:$0x10200] =	vst v63  }
0xa4: {  	_ =	swait.ge [sflag:s4], $0x200  }
0xa5: {  	[sflag:s4] =	ssyncset.done $0x0  }
0xa6: {  	[sflag:s4] =	ssyncadd.s32 $0xFFFFFE00  }
0xa7: {  	[tilespmem:s6], [sflag:$0x1] =	stream.indirect.gather [hbm4b:s2+s6], $0x80, s3, s6, $0xb8;
	[tilespmem:$0x10200] =	vst v63  }
0xa8: {  	_ =	swait.ge [sflag:s7], $0x10000  }
0xa9: {  	[sflag:s7] =	ssyncset.done $0x0  }
0xaa: {  	[sflag:s7] =	ssyncadd.s32 $0xFFFF0000  }
0xab: {  	[hbm4b:s18+s3] =	stream.linear.scatter [tilespmem:s6], [sflag:$0x2], $0x10000, $0x38;
	[tilespmem:$0x10200] =	vst v63  }
0xac: {  	_ =	swait.ge [sflag:s4], $0x10000  }
0xad: {  	[sflag:s4] =	ssyncset.done $0x0  }
0xae: {  	[sflag:s4] =	ssyncadd.s32 $0xFFFF0000  }
0xaf: {  	[tilespmem:s3], [sflag:$0x2] =	stream.linear.gather [hbm4b:s19+s3], $0x200, $0x38;
	[tilespmem:$0x10200] =	vst v63  }
0xb0: {  	_ =	swait.ge [sflag:s4], $0x200  }
0xb1: {  	[sflag:s4] =	ssyncset.done $0x0  }
0xb2: {  	[sflag:s4] =	ssyncadd.s32 $0xFFFFFE00  }
0xb3: {  	[tilespmem:s6], [sflag:$0x1] =	stream.indirect.gather [hbm4b:s2+s6], $0x80, s3, s6, $0xb8;
	[tilespmem:$0x10200] =	vst v63  }
0xb4: {  	_ =	swait.ge [sflag:s7], $0x10000  }
0xb5: {  	[sflag:s7] =	ssyncset.done $0x0  }
0xb6: {  	[sflag:s7] =	ssyncadd.s32 $0xFFFF0000  }
0xb7: {  	[hbm4b:s20+s3] =	stream.linear.scatter [tilespmem:s6], [sflag:$0x2], $0x10000, $0x38;
	[tilespmem:$0x10200] =	vst v63  }
0xb8: {  	_ =	swait.ge [sflag:s4], $0x10000  }
0xb9: {  	[sflag:s4] =	ssyncset.done $0x0  }
0xba: {  	[sflag:s4] =	ssyncadd.s32 $0xFFFF0000  }
0xbb: {  	[tilespmem:s3], [sflag:$0x2] =	stream.linear.gather [hbm4b:s21+s3], $0x200, $0x38;
	[tilespmem:$0x10200] =	vst v63  }
0xbc: {  	_ =	swait.ge [sflag:s4], $0x200  }
0xbd: {  	[sflag:s4] =	ssyncset.done $0x0  }
0xbe: {  	[sflag:s4] =	ssyncadd.s32 $0xFFFFFE00  }
0xbf: {  	[tilespmem:s6], [sflag:$0x1] =	stream.indirect.gather [hbm4b:s2+s6], $0x80, s3, s6, $0xb8;
	[tilespmem:$0x10200] =	vst v63  }
0xc0: {  	_ =	swait.ge [sflag:s7], $0x10000  }
.Ltmp1:
0xc1: {  	[sflag:s7] =	ssyncset.done $0x0;
	(pc) =	sbr.rel @p0 .LBB2_1-.Ltmp1, $4  }
0xc2: {  	[sflag:s7] =	ssyncadd.s32 $0xFFFF0000  }
0xc3: {  	[hbm4b:s22+s3] =	stream.linear.scatter [tilespmem:s6], [sflag:$0x2], $0x10000, $0x38;
	[tilespmem:$0x10200] =	vst v63  }
0xc4: {  	_ =	swait.ge [sflag:s4], $0x10000  }
0xc5: {  	[sflag:s4] =	ssyncset.done $0x0  }
.LBB2_2:
0xc6: {  	[sflag:s4] =	ssyncadd.s32 $0xFFFF0000  }
0xc7: {  	_ =	sfence.sel $0x180000  }
0xc8: {  	[bflag:$0x0] =	sbarrier.arrive $0xFFFF  }
0xc9: {  	p0 =	sne.s32 s0, $0x0;
	_ =	strace $0x90000047  }
0xca: {  	s0 =	sadd.s32 @!p0 $0x100000, s1;
	[bflag:$0x2] =	sbarrier.arrive $0xFFFF  }
0xcb: {  	[sflag:s0] =	ssyncadd.tile.s32 @!p0 $0x1;
	_ =	shalt  }
.Lfunc_end2:
_tile_overlayer_lowered:
.L_overlay_start_2:
0xcc: {  	(tag) =	ssettag $0x2  }
0xcd: {  	s0 =	rddreg [dreg:$0x0];
	s2 =	stileid.u32  }
0xce: {  	s1 =	rddreg [dreg:$0x1];
	p0 =	sne.s32 s2, $0x0  }
0xcf: {  	s3 =	rddreg [dreg:$0x2];
	[bflag:$0x3] =	sbarrier.arrive $0xFFFF;
	s2 =	simm.s32 @!p0 $0x1C02  }
0xd0: {  	[timem:s3], [sflag:s2] =	dma.local @!p0 [hbm:s0], s1  }
0xd1: {  	s0 =	simm.s32 @!p0 $0x2  }
0xd2: {  	_ =	swait.ge @!p0 [sflag:s0], s1  }
0xd3: {  	s1 =	ssub.s32 @!p0 $0x0, s1;
	[sflag:s0] =	ssyncset.done @!p0 $0x0  }
0xd4: {  	[sflag:s0] =	ssyncadd.s32 @!p0 s1  }
0xd5: {  	[bflag:$0x3] =	sbarrier.arrive $0xFFFF  }
0xd6: {  	_ =	shalt  }

</sc_bundles>
